<compile_context>
chip_gen: v7x
topology: tpu7x:2x2x1
jax: 0.10.2.dev20260603
libtpu: 0.0.44.dev20260713+nightly
codegen_flags: <defaults>
</compile_context>

<pallas_src>
import functools

import jax
import jax.numpy as jnp
from jax import lax
from jax.experimental import pallas as pl
from jax.experimental.pallas import tpu as pltpu
from jax.experimental.pallas import tpu_sc as plsc

_VOCAB = 100000
_EMBED_DIM = 128
_BATCH = 4096
_HIST_LEN = 200

_NUM_CORES = 2
_NUM_SUBCORES = 16
_NW = _NUM_CORES * _NUM_SUBCORES
_B_TOTAL = _BATCH * _HIST_LEN
_B_PER_W = _B_TOTAL // _NW
_CHUNK = 128
_NCHUNK = _B_PER_W // _CHUNK


_NBUF = 6
_DEPTH = 3
assert (2 * _DEPTH) % _NBUF == 0


def _gather_body(idx_hbm, table_hbm, out_hbm, idx_v, *rest):
    bufs = rest[:_NBUF]
    gsem = rest[_NBUF:2 * _NBUF]
    wsem = rest[2 * _NBUF:]
    wid = lax.axis_index("s") * _NUM_CORES + lax.axis_index("c")
    pltpu.sync_copy(idx_hbm.at[wid], idx_v)
    base = wid * _B_PER_W

    def start_gather(j, k):
        pltpu.async_copy(table_hbm.at[idx_v.at[j]], bufs[k], gsem[k])

    def wait_gather(j, k):
        pltpu.make_async_copy(table_hbm.at[idx_v.at[j]], bufs[k],
                              gsem[k]).wait()

    def out_slice(j):
        return out_hbm.at[pl.ds(base + j * _CHUNK, _CHUNK)]

    def start_write(j, k):
        pltpu.async_copy(bufs[k], out_slice(j), wsem[k])

    def wait_write(j, k):
        pltpu.make_async_copy(bufs[k], out_slice(j), wsem[k]).wait()

    def step_full(j, bj):
        kr = (bj + _DEPTH) % _NBUF
        wait_write(j - _DEPTH, kr)
        start_gather(j + _DEPTH, kr)
        wait_gather(j, bj)
        start_write(j, bj)

    for j in range(_DEPTH):
        start_gather(j, j % _NBUF)
    for j in range(_DEPTH):
        start_gather(j + _DEPTH, (j + _DEPTH) % _NBUF)
        wait_gather(j, j % _NBUF)
        start_write(j, j % _NBUF)

    groups, rem = divmod(_NCHUNK - 2 * _DEPTH, _NBUF)

    def group(g, carry):
        j0 = _DEPTH + g * _NBUF
        for k in range(_NBUF):
            step_full(j0 + k, (_DEPTH + k) % _NBUF)
        return carry

    lax.fori_loop(0, groups, group, 0)
    for i in range(rem):
        step_full(_DEPTH + groups * _NBUF + i, (_DEPTH + i) % _NBUF)

    for j in range(_NCHUNK - _DEPTH, _NCHUNK):
        bj = j % _NBUF
        wait_write(j - _DEPTH, (bj + _DEPTH) % _NBUF)
        wait_gather(j, bj)
        start_write(j, bj)
    for j in range(_NCHUNK - _DEPTH, _NCHUNK):
        wait_write(j, j % _NBUF)


_mesh = plsc.VectorSubcoreMesh(core_axis_name="c", subcore_axis_name="s")

_gather_call = pl.kernel(
    _gather_body,
    out_type=jax.ShapeDtypeStruct((_B_TOTAL, _EMBED_DIM), jnp.float32),
    mesh=_mesh,
    scratch_types=(
        [pltpu.VMEM((_NCHUNK, _CHUNK), jnp.int32)]
        + [pltpu.VMEM((_CHUNK, _EMBED_DIM), jnp.float32)] * _NBUF
        + [pltpu.SemaphoreType.DMA] * (2 * _NBUF)
    ),
)


def kernel(indices, table):
    flat_idx = indices.astype(jnp.int32).reshape(_NW, _NCHUNK, _CHUNK)
    out = _gather_call(flat_idx, table)
    return out.reshape(_BATCH, _HIST_LEN, _EMBED_DIM)

# --- scband reference (transcript-rebuilt; emitter-appended) ---
"""Pipeline reference for scband-embedded-model-26654567038999 (READ-ONLY COPY).

The authoritative reference and input builder live on the scoring server;
editing this copy changes nothing except your own understanding.
"""

import jax, jax.numpy as jnp
import numpy as np

VOCAB = 100000
EMBED_DIM = 128
BATCH = 4096
HIST_LEN = 200

def setup_inputs(seed: int = 0) -> dict:
    key = jax.random.key(seed)
    k_idx, k_tab = jax.random.split(key)
    indices = jax.random.randint(k_idx, (BATCH, HIST_LEN), 0, VOCAB, dtype=jnp.int64 if jax.config.jax_enable_x64 else jnp.int32)
    # Embedding table initialized like keras.layers.Embedding default (uniform)
    table = jax.random.uniform(k_tab, (VOCAB, EMBED_DIM), dtype=jnp.float32, minval=-0.05, maxval=0.05)
    return {"indices": indices, "table": table}

def reference(indices, table):
    # Faithful translation of keras Embedding(input_dim=VOCAB, output_dim=EMBED_DIM)(indices)
    # mask_zero=False (default isMasking=False), so it's a plain gather.
    return jnp.take(table, indices, axis=0)

if __name__ == "__main__":
    import jax
    _d = setup_inputs()
    print(jax.jit(kernel)(*tuple(_d.values())))

</pallas_src>

<mosaic_0001>
#map = affine_map<(d0, d1) -> (0, 0, 0)>
#map1 = affine_map<(d0, d1) -> (0, 0)>
module attributes {stable_mosaic.version = 14 : i64} {
  func.func @_gather_body(%arg0: i32, %arg1: i32, %arg2: memref<32x200x128xi32, #tpu.memory_space<hbm>>, %arg3: memref<100000x128xf32, #tpu.memory_space<hbm>>, %arg4: memref<819200x128xf32, #tpu.memory_space<hbm>>, %arg5: memref<200x128xi32, #tpu.memory_space<vmem>>, %arg6: memref<128x128xf32, #tpu.memory_space<vmem>>, %arg7: memref<128x128xf32, #tpu.memory_space<vmem>>, %arg8: memref<128x128xf32, #tpu.memory_space<vmem>>, %arg9: memref<128x128xf32, #tpu.memory_space<vmem>>, %arg10: memref<128x128xf32, #tpu.memory_space<vmem>>, %arg11: memref<128x128xf32, #tpu.memory_space<vmem>>, %arg12: memref<!tpu.dma_semaphore, #tpu.memory_space<semaphore_mem>>, %arg13: memref<!tpu.dma_semaphore, #tpu.memory_space<semaphore_mem>>, %arg14: memref<!tpu.dma_semaphore, #tpu.memory_space<semaphore_mem>>, %arg15: memref<!tpu.dma_semaphore, #tpu.memory_space<semaphore_mem>>, %arg16: memref<!tpu.dma_semaphore, #tpu.memory_space<semaphore_mem>>, %arg17: memref<!tpu.dma_semaphore, #tpu.memory_space<semaphore_mem>>, %arg18: memref<!tpu.dma_semaphore, #tpu.memory_space<semaphore_mem>>, %arg19: memref<!tpu.dma_semaphore, #tpu.memory_space<semaphore_mem>>, %arg20: memref<!tpu.dma_semaphore, #tpu.memory_space<semaphore_mem>>, %arg21: memref<!tpu.dma_semaphore, #tpu.memory_space<semaphore_mem>>, %arg22: memref<!tpu.dma_semaphore, #tpu.memory_space<semaphore_mem>>, %arg23: memref<!tpu.dma_semaphore, #tpu.memory_space<semaphore_mem>>) attributes {dimension_semantics = [#tpu.dimension_semantics<core_parallel>, #tpu.dimension_semantics<subcore_parallel>], iteration_bounds = array<i64: 2, 16>, scalar_prefetch = 0 : i64, scratch_operands = 19 : i64, tpu.core_type = #tpu.core_type<sc_vector_subcore>, window_params = [{transform_indices = #map}, {transform_indices = #map1}, {transform_indices = #map1}]} {
    %mul3A = arith.constant 2 : i32
    %mul3A_0 = arith.muli %arg1, %mul3A : i32
    %add3A = arith.addi %mul3A_0, %arg0 : i32
    "tpu.region"() ({
      %run_scoped3A = tpu.sem_alloc : memref<!tpu.dma_semaphore, #tpu.memory_space<semaphore_mem>>
      %dma_start3A_214 = arith.constant 0 : i32
      %dma_start3A_215 = arith.constant 0 : i32
      %dma_start3A_216 = tpu.memref_slice %arg2[%add3A, %dma_start3A_214, %dma_start3A_215] : memref<32x200x128xi32, #tpu.memory_space<hbm>> -> memref<1x200x128xi32, #tpu.memory_space<hbm>>
      %dma_start3A_217 = tpu.memref_squeeze %dma_start3A_216 : memref<1x200x128xi32, #tpu.memory_space<hbm>> -> memref<200x128xi32, #tpu.memory_space<hbm>>
      %dma_start3A_218 = arith.constant 0 : i32
      %dma_start3A_219 = arith.constant 0 : i32
      %dma_start3A_220 = tpu.memref_slice %arg2[%add3A, %dma_start3A_218, %dma_start3A_219] : memref<32x200x128xi32, #tpu.memory_space<hbm>> -> memref<1x200x128xi32, #tpu.memory_space<hbm>>
      %dma_start3A_221 = tpu.memref_squeeze %dma_start3A_220 : memref<1x200x128xi32, #tpu.memory_space<hbm>> -> memref<200x128xi32, #tpu.memory_space<hbm>>
      tpu.enqueue_dma source(%dma_start3A_221 : memref<200x128xi32, #tpu.memory_space<hbm>>) target(%arg5 : memref<200x128xi32, #tpu.memory_space<vmem>>) target_semaphore(%run_scoped3A : memref<!tpu.dma_semaphore, #tpu.memory_space<semaphore_mem>>)
      %dma_wait3A_222 = arith.constant 0 : i32
      %dma_wait3A_223 = arith.constant 0 : i32
      %dma_wait3A_224 = tpu.memref_slice %arg2[%add3A, %dma_wait3A_222, %dma_wait3A_223] : memref<32x200x128xi32, #tpu.memory_space<hbm>> -> memref<1x200x128xi32, #tpu.memory_space<hbm>>
      %dma_wait3A_225 = tpu.memref_squeeze %dma_wait3A_224 : memref<1x200x128xi32, #tpu.memory_space<hbm>> -> memref<200x128xi32, #tpu.memory_space<hbm>>
      %dma_wait3A_226 = arith.constant 0 : i32
      %dma_wait3A_227 = arith.constant 0 : i32
      %dma_wait3A_228 = tpu.memref_slice %arg2[%add3A, %dma_wait3A_226, %dma_wait3A_227] : memref<32x200x128xi32, #tpu.memory_space<hbm>> -> memref<1x200x128xi32, #tpu.memory_space<hbm>>
      %dma_wait3A_229 = tpu.memref_squeeze %dma_wait3A_228 : memref<1x200x128xi32, #tpu.memory_space<hbm>> -> memref<200x128xi32, #tpu.memory_space<hbm>>
      tpu.wait_dma2 semaphore(%run_scoped3A : memref<!tpu.dma_semaphore, #tpu.memory_space<semaphore_mem>>) src(%dma_wait3A_229 : memref<200x128xi32, #tpu.memory_space<hbm>>) dst(%arg5 : memref<200x128xi32, #tpu.memory_space<vmem>>)
      tpu.yield
    }) : () -> ()
    %mul3A_1 = arith.constant 25600 : i32
    %mul3A_2 = arith.muli %add3A, %mul3A_1 : i32
    %dma_start3A = arith.constant 0 : i32
    %dma_start3A_3 = arith.constant 0 : i32
    %dma_start3A_4 = tpu.memref_slice %arg5[%dma_start3A, %dma_start3A_3] : memref<200x128xi32, #tpu.memory_space<vmem>> -> memref<1x128xi32, #tpu.memory_space<vmem>>
    %dma_start3A_5 = tpu.memref_squeeze %dma_start3A_4 : memref<1x128xi32, #tpu.memory_space<vmem>> -> memref<128xi32, #tpu.memory_space<vmem>>
    %dma_start3A_6 = arith.constant 0 : i32
    %dma_start3A_7 = arith.constant 0 : i32
    %dma_start3A_8 = tpu.memref_slice %arg3[%dma_start3A_6, %dma_start3A_7] : memref<100000x128xf32, #tpu.memory_space<hbm>> -> memref<100000x128xf32, #tpu.memory_space<hbm>>
    tpu.enqueue_indirect_dma source(%dma_start3A_8 : memref<100000x128xf32, #tpu.memory_space<hbm>>) target(%arg6 : memref<128x128xf32, #tpu.memory_space<vmem>>) offsets(%dma_start3A_5 : memref<128xi32, #tpu.memory_space<vmem>>) semaphore(%arg12 : memref<!tpu.dma_semaphore, #tpu.memory_space<semaphore_mem>>)
    %dma_start3A_9 = arith.constant 1 : i32
    %dma_start3A_10 = arith.constant 0 : i32
    %dma_start3A_11 = tpu.memref_slice %arg5[%dma_start3A_9, %dma_start3A_10] : memref<200x128xi32, #tpu.memory_space<vmem>> -> memref<1x128xi32, #tpu.memory_space<vmem>>
    %dma_start3A_12 = tpu.memref_squeeze %dma_start3A_11 : memref<1x128xi32, #tpu.memory_space<vmem>> -> memref<128xi32, #tpu.memory_space<vmem>>
    %dma_start3A_13 = arith.constant 0 : i32
    %dma_start3A_14 = arith.constant 0 : i32
    %dma_start3A_15 = tpu.memref_slice %arg3[%dma_start3A_13, %dma_start3A_14] : memref<100000x128xf32, #tpu.memory_space<hbm>> -> memref<100000x128xf32, #tpu.memory_space<hbm>>
    tpu.enqueue_indirect_dma source(%dma_start3A_15 : memref<100000x128xf32, #tpu.memory_space<hbm>>) target(%arg7 : memref<128x128xf32, #tpu.memory_space<vmem>>) offsets(%dma_start3A_12 : memref<128xi32, #tpu.memory_space<vmem>>) semaphore(%arg13 : memref<!tpu.dma_semaphore, #tpu.memory_space<semaphore_mem>>)
    %dma_start3A_16 = arith.constant 2 : i32
    %dma_start3A_17 = arith.constant 0 : i32
    %dma_start3A_18 = tpu.memref_slice %arg5[%dma_start3A_16, %dma_start3A_17] : memref<200x128xi32, #tpu.memory_space<vmem>> -> memref<1x128xi32, #tpu.memory_space<vmem>>
    %dma_start3A_19 = tpu.memref_squeeze %dma_start3A_18 : memref<1x128xi32, #tpu.memory_space<vmem>> -> memref<128xi32, #tpu.memory_space<vmem>>
    %dma_start3A_20 = arith.constant 0 : i32
    %dma_start3A_21 = arith.constant 0 : i32
    %dma_start3A_22 = tpu.memref_slice %arg3[%dma_start3A_20, %dma_start3A_21] : memref<100000x128xf32, #tpu.memory_space<hbm>> -> memref<100000x128xf32, #tpu.memory_space<hbm>>
    tpu.enqueue_indirect_dma source(%dma_start3A_22 : memref<100000x128xf32, #tpu.memory_space<hbm>>) target(%arg8 : memref<128x128xf32, #tpu.memory_space<vmem>>) offsets(%dma_start3A_19 : memref<128xi32, #tpu.memory_space<vmem>>) semaphore(%arg14 : memref<!tpu.dma_semaphore, #tpu.memory_space<semaphore_mem>>)
    %dma_start3A_23 = arith.constant 3 : i32
    %dma_start3A_24 = arith.constant 0 : i32
    %dma_start3A_25 = tpu.memref_slice %arg5[%dma_start3A_23, %dma_start3A_24] : memref<200x128xi32, #tpu.memory_space<vmem>> -> memref<1x128xi32, #tpu.memory_space<vmem>>
    %dma_start3A_26 = tpu.memref_squeeze %dma_start3A_25 : memref<1x128xi32, #tpu.memory_space<vmem>> -> memref<128xi32, #tpu.memory_space<vmem>>
    %dma_start3A_27 = arith.constant 0 : i32
    %dma_start3A_28 = arith.constant 0 : i32
    %dma_start3A_29 = tpu.memref_slice %arg3[%dma_start3A_27, %dma_start3A_28] : memref<100000x128xf32, #tpu.memory_space<hbm>> -> memref<100000x128xf32, #tpu.memory_space<hbm>>
    tpu.enqueue_indirect_dma source(%dma_start3A_29 : memref<100000x128xf32, #tpu.memory_space<hbm>>) target(%arg9 : memref<128x128xf32, #tpu.memory_space<vmem>>) offsets(%dma_start3A_26 : memref<128xi32, #tpu.memory_space<vmem>>) semaphore(%arg15 : memref<!tpu.dma_semaphore, #tpu.memory_space<semaphore_mem>>)
    %dma_wait3A = arith.constant 0 : i32
    %dma_wait3A_30 = arith.constant 0 : i32
    %dma_wait3A_31 = tpu.memref_slice %arg5[%dma_wait3A, %dma_wait3A_30] : memref<200x128xi32, #tpu.memory_space<vmem>> -> memref<1x128xi32, #tpu.memory_space<vmem>>
    %dma_wait3A_32 = tpu.memref_squeeze %dma_wait3A_31 : memref<1x128xi32, #tpu.memory_space<vmem>> -> memref<128xi32, #tpu.memory_space<vmem>>
    %dma_wait3A_33 = arith.constant 0 : i32
    %dma_wait3A_34 = arith.constant 0 : i32
    %dma_wait3A_35 = tpu.memref_slice %arg3[%dma_wait3A_33, %dma_wait3A_34] : memref<100000x128xf32, #tpu.memory_space<hbm>> -> memref<100000x128xf32, #tpu.memory_space<hbm>>
    tpu.wait_indirect_dma semaphore(%arg12 : memref<!tpu.dma_semaphore, #tpu.memory_space<semaphore_mem>>) src(%dma_wait3A_35 : memref<100000x128xf32, #tpu.memory_space<hbm>>) dst(%arg6 : memref<128x128xf32, #tpu.memory_space<vmem>>)
    %add3A_36 = arith.constant 0 : i32
    %add3A_37 = arith.addi %mul3A_2, %add3A_36 : i32
    %dma_start3A_38 = arith.constant 0 : i32
    %dma_start3A_39 = tpu.memref_slice %arg4[%add3A_37, %dma_start3A_38] : memref<819200x128xf32, #tpu.memory_space<hbm>> -> memref<128x128xf32, #tpu.memory_space<hbm>>
    %dma_start3A_40 = arith.constant 0 : i32
    %dma_start3A_41 = tpu.memref_slice %arg4[%add3A_37, %dma_start3A_40] : memref<819200x128xf32, #tpu.memory_space<hbm>> -> memref<128x128xf32, #tpu.memory_space<hbm>>
    tpu.enqueue_dma source(%arg6 : memref<128x128xf32, #tpu.memory_space<vmem>>) target(%dma_start3A_41 : memref<128x128xf32, #tpu.memory_space<hbm>>) target_semaphore(%arg18 : memref<!tpu.dma_semaphore, #tpu.memory_space<semaphore_mem>>)
    %dma_start3A_42 = arith.constant 4 : i32
    %dma_start3A_43 = arith.constant 0 : i32
    %dma_start3A_44 = tpu.memref_slice %arg5[%dma_start3A_42, %dma_start3A_43] : memref<200x128xi32, #tpu.memory_space<vmem>> -> memref<1x128xi32, #tpu.memory_space<vmem>>
    %dma_start3A_45 = tpu.memref_squeeze %dma_start3A_44 : memref<1x128xi32, #tpu.memory_space<vmem>> -> memref<128xi32, #tpu.memory_space<vmem>>
    %dma_start3A_46 = arith.constant 0 : i32
    %dma_start3A_47 = arith.constant 0 : i32
    %dma_start3A_48 = tpu.memref_slice %arg3[%dma_start3A_46, %dma_start3A_47] : memref<100000x128xf32, #tpu.memory_space<hbm>> -> memref<100000x128xf32, #tpu.memory_space<hbm>>
    tpu.enqueue_indirect_dma source(%dma_start3A_48 : memref<100000x128xf32, #tpu.memory_space<hbm>>) target(%arg10 : memref<128x128xf32, #tpu.memory_space<vmem>>) offsets(%dma_start3A_45 : memref<128xi32, #tpu.memory_space<vmem>>) semaphore(%arg16 : memref<!tpu.dma_semaphore, #tpu.memory_space<semaphore_mem>>)
    %dma_wait3A_49 = arith.constant 1 : i32
    %dma_wait3A_50 = arith.constant 0 : i32
    %dma_wait3A_51 = tpu.memref_slice %arg5[%dma_wait3A_49, %dma_wait3A_50] : memref<200x128xi32, #tpu.memory_space<vmem>> -> memref<1x128xi32, #tpu.memory_space<vmem>>
    %dma_wait3A_52 = tpu.memref_squeeze %dma_wait3A_51 : memref<1x128xi32, #tpu.memory_space<vmem>> -> memref<128xi32, #tpu.memory_space<vmem>>
    %dma_wait3A_53 = arith.constant 0 : i32
    %dma_wait3A_54 = arith.constant 0 : i32
    %dma_wait3A_55 = tpu.memref_slice %arg3[%dma_wait3A_53, %dma_wait3A_54] : memref<100000x128xf32, #tpu.memory_space<hbm>> -> memref<100000x128xf32, #tpu.memory_space<hbm>>
    tpu.wait_indirect_dma semaphore(%arg13 : memref<!tpu.dma_semaphore, #tpu.memory_space<semaphore_mem>>) src(%dma_wait3A_55 : memref<100000x128xf32, #tpu.memory_space<hbm>>) dst(%arg7 : memref<128x128xf32, #tpu.memory_space<vmem>>)
    %add3A_56 = arith.constant 128 : i32
    %add3A_57 = arith.addi %mul3A_2, %add3A_56 : i32
    %dma_start3A_58 = arith.constant 0 : i32
    %dma_start3A_59 = tpu.memref_slice %arg4[%add3A_57, %dma_start3A_58] : memref<819200x128xf32, #tpu.memory_space<hbm>> -> memref<128x128xf32, #tpu.memory_space<hbm>>
    %dma_start3A_60 = arith.constant 0 : i32
    %dma_start3A_61 = tpu.memref_slice %arg4[%add3A_57, %dma_start3A_60] : memref<819200x128xf32, #tpu.memory_space<hbm>> -> memref<128x128xf32, #tpu.memory_space<hbm>>
    tpu.enqueue_dma source(%arg7 : memref<128x128xf32, #tpu.memory_space<vmem>>) target(%dma_start3A_61 : memref<128x128xf32, #tpu.memory_space<hbm>>) target_semaphore(%arg19 : memref<!tpu.dma_semaphore, #tpu.memory_space<semaphore_mem>>)
    %dma_start3A_62 = arith.constant 5 : i32
    %dma_start3A_63 = arith.constant 0 : i32
    %dma_start3A_64 = tpu.memref_slice %arg5[%dma_start3A_62, %dma_start3A_63] : memref<200x128xi32, #tpu.memory_space<vmem>> -> memref<1x128xi32, #tpu.memory_space<vmem>>
    %dma_start3A_65 = tpu.memref_squeeze %dma_start3A_64 : memref<1x128xi32, #tpu.memory_space<vmem>> -> memref<128xi32, #tpu.memory_space<vmem>>
    %dma_start3A_66 = arith.constant 0 : i32
    %dma_start3A_67 = arith.constant 0 : i32
    %dma_start3A_68 = tpu.memref_slice %arg3[%dma_start3A_66, %dma_start3A_67] : memref<100000x128xf32, #tpu.memory_space<hbm>> -> memref<100000x128xf32, #tpu.memory_space<hbm>>
    tpu.enqueue_indirect_dma source(%dma_start3A_68 : memref<100000x128xf32, #tpu.memory_space<hbm>>) target(%arg11 : memref<128x128xf32, #tpu.memory_space<vmem>>) offsets(%dma_start3A_65 : memref<128xi32, #tpu.memory_space<vmem>>) semaphore(%arg17 : memref<!tpu.dma_semaphore, #tpu.memory_space<semaphore_mem>>)
    %dma_wait3A_69 = arith.constant 2 : i32
    %dma_wait3A_70 = arith.constant 0 : i32
    %dma_wait3A_71 = tpu.memref_slice %arg5[%dma_wait3A_69, %dma_wait3A_70] : memref<200x128xi32, #tpu.memory_space<vmem>> -> memref<1x128xi32, #tpu.memory_space<vmem>>
    %dma_wait3A_72 = tpu.memref_squeeze %dma_wait3A_71 : memref<1x128xi32, #tpu.memory_space<vmem>> -> memref<128xi32, #tpu.memory_space<vmem>>
    %dma_wait3A_73 = arith.constant 0 : i32
    %dma_wait3A_74 = arith.constant 0 : i32
    %dma_wait3A_75 = tpu.memref_slice %arg3[%dma_wait3A_73, %dma_wait3A_74] : memref<100000x128xf32, #tpu.memory_space<hbm>> -> memref<100000x128xf32, #tpu.memory_space<hbm>>
    tpu.wait_indirect_dma semaphore(%arg14 : memref<!tpu.dma_semaphore, #tpu.memory_space<semaphore_mem>>) src(%dma_wait3A_75 : memref<100000x128xf32, #tpu.memory_space<hbm>>) dst(%arg8 : memref<128x128xf32, #tpu.memory_space<vmem>>)
    %add3A_76 = arith.constant 256 : i32
    %add3A_77 = arith.addi %mul3A_2, %add3A_76 : i32
    %dma_start3A_78 = arith.constant 0 : i32
    %dma_start3A_79 = tpu.memref_slice %arg4[%add3A_77, %dma_start3A_78] : memref<819200x128xf32, #tpu.memory_space<hbm>> -> memref<128x128xf32, #tpu.memory_space<hbm>>
    %dma_start3A_80 = arith.constant 0 : i32
    %dma_start3A_81 = tpu.memref_slice %arg4[%add3A_77, %dma_start3A_80] : memref<819200x128xf32, #tpu.memory_space<hbm>> -> memref<128x128xf32, #tpu.memory_space<hbm>>
    tpu.enqueue_dma source(%arg8 : memref<128x128xf32, #tpu.memory_space<vmem>>) target(%dma_start3A_81 : memref<128x128xf32, #tpu.memory_space<hbm>>) target_semaphore(%arg20 : memref<!tpu.dma_semaphore, #tpu.memory_space<semaphore_mem>>)
    %scan3A = arith.constant 0 : i32
    %scan3A_82 = arith.constant 0 : i32
    %scan3A_83 = arith.constant 32 : i32
    %scan3A_84 = arith.addi %scan3A_82, %scan3A_83 : i32
    %scan3A_85 = arith.constant 1 : i32
    scf.for %scan3A_214 = %scan3A_82 to %scan3A_84 step %scan3A_85  : i32 {
      %mul3A_215 = arith.constant 6 : i32
      %mul3A_216 = arith.muli %scan3A_214, %mul3A_215 : i32
      %add3A_217 = arith.constant 3 : i32
      %add3A_218 = arith.addi %add3A_217, %mul3A_216 : i32
      %add3A_219 = arith.constant 0 : i32
      %add3A_220 = arith.addi %add3A_218, %add3A_219 : i32
      %sub3A = arith.constant 3 : i32
      %sub3A_221 = arith.subi %add3A_220, %sub3A : i32
      %mul3A_222 = arith.constant 128 : i32
      %mul3A_223 = arith.muli %sub3A_221, %mul3A_222 : i32
      %add3A_224 = arith.addi %mul3A_2, %mul3A_223 : i32
      %dma_wait3A_225 = arith.constant 0 : i32
      %dma_wait3A_226 = tpu.memref_slice %arg4[%add3A_224, %dma_wait3A_225] : memref<819200x128xf32, #tpu.memory_space<hbm>> -> memref<128x128xf32, #tpu.memory_space<hbm>>
      %dma_wait3A_227 = arith.constant 0 : i32
      %dma_wait3A_228 = tpu.memref_slice %arg4[%add3A_224, %dma_wait3A_227] : memref<819200x128xf32, #tpu.memory_space<hbm>> -> memref<128x128xf32, #tpu.memory_space<hbm>>
      tpu.wait_dma2 semaphore(%arg18 : memref<!tpu.dma_semaphore, #tpu.memory_space<semaphore_mem>>) src(%arg6 : memref<128x128xf32, #tpu.memory_space<vmem>>) dst(%dma_wait3A_228 : memref<128x128xf32, #tpu.memory_space<hbm>>)
      %add3A_229 = arith.constant 3 : i32
      %add3A_230 = arith.addi %add3A_220, %add3A_229 : i32
      %dma_start3A_231 = arith.constant 0 : i32
      %dma_start3A_232 = tpu.memref_slice %arg5[%add3A_230, %dma_start3A_231] : memref<200x128xi32, #tpu.memory_space<vmem>> -> memref<1x128xi32, #tpu.memory_space<vmem>>
      %dma_start3A_233 = tpu.memref_squeeze %dma_start3A_232 : memref<1x128xi32, #tpu.memory_space<vmem>> -> memref<128xi32, #tpu.memory_space<vmem>>
      %dma_start3A_234 = arith.constant 0 : i32
      %dma_start3A_235 = arith.constant 0 : i32
      %dma_start3A_236 = tpu.memref_slice %arg3[%dma_start3A_234, %dma_start3A_235] : memref<100000x128xf32, #tpu.memory_space<hbm>> -> memref<100000x128xf32, #tpu.memory_space<hbm>>
      tpu.enqueue_indirect_dma source(%dma_start3A_236 : memref<100000x128xf32, #tpu.memory_space<hbm>>) target(%arg6 : memref<128x128xf32, #tpu.memory_space<vmem>>) offsets(%dma_start3A_233 : memref<128xi32, #tpu.memory_space<vmem>>) semaphore(%arg12 : memref<!tpu.dma_semaphore, #tpu.memory_space<semaphore_mem>>)
      %dma_wait3A_237 = arith.constant 0 : i32
      %dma_wait3A_238 = tpu.memref_slice %arg5[%add3A_220, %dma_wait3A_237] : memref<200x128xi32, #tpu.memory_space<vmem>> -> memref<1x128xi32, #tpu.memory_space<vmem>>
      %dma_wait3A_239 = tpu.memref_squeeze %dma_wait3A_238 : memref<1x128xi32, #tpu.memory_space<vmem>> -> memref<128xi32, #tpu.memory_space<vmem>>
      %dma_wait3A_240 = arith.constant 0 : i32
      %dma_wait3A_241 = arith.constant 0 : i32
      %dma_wait3A_242 = tpu.memref_slice %arg3[%dma_wait3A_240, %dma_wait3A_241] : memref<100000x128xf32, #tpu.memory_space<hbm>> -> memref<100000x128xf32, #tpu.memory_space<hbm>>
      tpu.wait_indirect_dma semaphore(%arg15 : memref<!tpu.dma_semaphore, #tpu.memory_space<semaphore_mem>>) src(%dma_wait3A_242 : memref<100000x128xf32, #tpu.memory_space<hbm>>) dst(%arg9 : memref<128x128xf32, #tpu.memory_space<vmem>>)
      %mul3A_243 = arith.constant 128 : i32
      %mul3A_244 = arith.muli %add3A_220, %mul3A_243 : i32
      %add3A_245 = arith.addi %mul3A_2, %mul3A_244 : i32
      %dma_start3A_246 = arith.constant 0 : i32
      %dma_start3A_247 = tpu.memref_slice %arg4[%add3A_245, %dma_start3A_246] : memref<819200x128xf32, #tpu.memory_space<hbm>> -> memref<128x128xf32, #tpu.memory_space<hbm>>
      %dma_start3A_248 = arith.constant 0 : i32
      %dma_start3A_249 = tpu.memref_slice %arg4[%add3A_245, %dma_start3A_248] : memref<819200x128xf32, #tpu.memory_space<hbm>> -> memref<128x128xf32, #tpu.memory_space<hbm>>
      tpu.enqueue_dma source(%arg9 : memref<128x128xf32, #tpu.memory_space<vmem>>) target(%dma_start3A_249 : memref<128x128xf32, #tpu.memory_space<hbm>>) target_semaphore(%arg21 : memref<!tpu.dma_semaphore, #tpu.memory_space<semaphore_mem>>)
      %add3A_250 = arith.constant 1 : i32
      %add3A_251 = arith.addi %add3A_218, %add3A_250 : i32
      %sub3A_252 = arith.constant 3 : i32
      %sub3A_253 = arith.subi %add3A_251, %sub3A_252 : i32
      %mul3A_254 = arith.constant 128 : i32
      %mul3A_255 = arith.muli %sub3A_253, %mul3A_254 : i32
      %add3A_256 = arith.addi %mul3A_2, %mul3A_255 : i32
      %dma_wait3A_257 = arith.constant 0 : i32
      %dma_wait3A_258 = tpu.memref_slice %arg4[%add3A_256, %dma_wait3A_257] : memref<819200x128xf32, #tpu.memory_space<hbm>> -> memref<128x128xf32, #tpu.memory_space<hbm>>
      %dma_wait3A_259 = arith.constant 0 : i32
      %dma_wait3A_260 = tpu.memref_slice %arg4[%add3A_256, %dma_wait3A_259] : memref<819200x128xf32, #tpu.memory_space<hbm>> -> memref<128x128xf32, #tpu.memory_space<hbm>>
      tpu.wait_dma2 semaphore(%arg19 : memref<!tpu.dma_semaphore, #tpu.memory_space<semaphore_mem>>) src(%arg7 : memref<128x128xf32, #tpu.memory_space<vmem>>) dst(%dma_wait3A_260 : memref<128x128xf32, #tpu.memory_space<hbm>>)
      %add3A_261 = arith.constant 3 : i32
      %add3A_262 = arith.addi %add3A_251, %add3A_261 : i32
      %dma_start3A_263 = arith.constant 0 : i32
      %dma_start3A_264 = tpu.memref_slice %arg5[%add3A_262, %dma_start3A_263] : memref<200x128xi32, #tpu.memory_space<vmem>> -> memref<1x128xi32, #tpu.memory_space<vmem>>
      %dma_start3A_265 = tpu.memref_squeeze %dma_start3A_264 : memref<1x128xi32, #tpu.memory_space<vmem>> -> memref<128xi32, #tpu.memory_space<vmem>>
      %dma_start3A_266 = arith.constant 0 : i32
      %dma_start3A_267 = arith.constant 0 : i32
      %dma_start3A_268 = tpu.memref_slice %arg3[%dma_start3A_266, %dma_start3A_267] : memref<100000x128xf32, #tpu.memory_space<hbm>> -> memref<100000x128xf32, #tpu.memory_space<hbm>>
      tpu.enqueue_indirect_dma source(%dma_start3A_268 : memref<100000x128xf32, #tpu.memory_space<hbm>>) target(%arg7 : memref<128x128xf32, #tpu.memory_space<vmem>>) offsets(%dma_start3A_265 : memref<128xi32, #tpu.memory_space<vmem>>) semaphore(%arg13 : memref<!tpu.dma_semaphore, #tpu.memory_space<semaphore_mem>>)
      %dma_wait3A_269 = arith.constant 0 : i32
      %dma_wait3A_270 = tpu.memref_slice %arg5[%add3A_251, %dma_wait3A_269] : memref<200x128xi32, #tpu.memory_space<vmem>> -> memref<1x128xi32, #tpu.memory_space<vmem>>
      %dma_wait3A_271 = tpu.memref_squeeze %dma_wait3A_270 : memref<1x128xi32, #tpu.memory_space<vmem>> -> memref<128xi32, #tpu.memory_space<vmem>>
      %dma_wait3A_272 = arith.constant 0 : i32
      %dma_wait3A_273 = arith.constant 0 : i32
      %dma_wait3A_274 = tpu.memref_slice %arg3[%dma_wait3A_272, %dma_wait3A_273] : memref<100000x128xf32, #tpu.memory_space<hbm>> -> memref<100000x128xf32, #tpu.memory_space<hbm>>
      tpu.wait_indirect_dma semaphore(%arg16 : memref<!tpu.dma_semaphore, #tpu.memory_space<semaphore_mem>>) src(%dma_wait3A_274 : memref<100000x128xf32, #tpu.memory_space<hbm>>) dst(%arg10 : memref<128x128xf32, #tpu.memory_space<vmem>>)
      %mul3A_275 = arith.constant 128 : i32
      %mul3A_276 = arith.muli %add3A_251, %mul3A_275 : i32
      %add3A_277 = arith.addi %mul3A_2, %mul3A_276 : i32
      %dma_start3A_278 = arith.constant 0 : i32
      %dma_start3A_279 = tpu.memref_slice %arg4[%add3A_277, %dma_start3A_278] : memref<819200x128xf32, #tpu.memory_space<hbm>> -> memref<128x128xf32, #tpu.memory_space<hbm>>
      %dma_start3A_280 = arith.constant 0 : i32
      %dma_start3A_281 = tpu.memref_slice %arg4[%add3A_277, %dma_start3A_280] : memref<819200x128xf32, #tpu.memory_space<hbm>> -> memref<128x128xf32, #tpu.memory_space<hbm>>
      tpu.enqueue_dma source(%arg10 : memref<128x128xf32, #tpu.memory_space<vmem>>) target(%dma_start3A_281 : memref<128x128xf32, #tpu.memory_space<hbm>>) target_semaphore(%arg22 : memref<!tpu.dma_semaphore, #tpu.memory_space<semaphore_mem>>)
      %add3A_282 = arith.constant 2 : i32
      %add3A_283 = arith.addi %add3A_218, %add3A_282 : i32
      %sub3A_284 = arith.constant 3 : i32
      %sub3A_285 = arith.subi %add3A_283, %sub3A_284 : i32
      %mul3A_286 = arith.constant 128 : i32
      %mul3A_287 = arith.muli %sub3A_285, %mul3A_286 : i32
      %add3A_288 = arith.addi %mul3A_2, %mul3A_287 : i32
      %dma_wait3A_289 = arith.constant 0 : i32
      %dma_wait3A_290 = tpu.memref_slice %arg4[%add3A_288, %dma_wait3A_289] : memref<819200x128xf32, #tpu.memory_space<hbm>> -> memref<128x128xf32, #tpu.memory_space<hbm>>
      %dma_wait3A_291 = arith.constant 0 : i32
      %dma_wait3A_292 = tpu.memref_slice %arg4[%add3A_288, %dma_wait3A_291] : memref<819200x128xf32, #tpu.memory_space<hbm>> -> memref<128x128xf32, #tpu.memory_space<hbm>>
      tpu.wait_dma2 semaphore(%arg20 : memref<!tpu.dma_semaphore, #tpu.memory_space<semaphore_mem>>) src(%arg8 : memref<128x128xf32, #tpu.memory_space<vmem>>) dst(%dma_wait3A_292 : memref<128x128xf32, #tpu.memory_space<hbm>>)
      %add3A_293 = arith.constant 3 : i32
      %add3A_294 = arith.addi %add3A_283, %add3A_293 : i32
      %dma_start3A_295 = arith.constant 0 : i32
      %dma_start3A_296 = tpu.memref_slice %arg5[%add3A_294, %dma_start3A_295] : memref<200x128xi32, #tpu.memory_space<vmem>> -> memref<1x128xi32, #tpu.memory_space<vmem>>
      %dma_start3A_297 = tpu.memref_squeeze %dma_start3A_296 : memref<1x128xi32, #tpu.memory_space<vmem>> -> memref<128xi32, #tpu.memory_space<vmem>>
      %dma_start3A_298 = arith.constant 0 : i32
      %dma_start3A_299 = arith.constant 0 : i32
      %dma_start3A_300 = tpu.memref_slice %arg3[%dma_start3A_298, %dma_start3A_299] : memref<100000x128xf32, #tpu.memory_space<hbm>> -> memref<100000x128xf32, #tpu.memory_space<hbm>>
      tpu.enqueue_indirect_dma source(%dma_start3A_300 : memref<100000x128xf32, #tpu.memory_space<hbm>>) target(%arg8 : memref<128x128xf32, #tpu.memory_space<vmem>>) offsets(%dma_start3A_297 : memref<128xi32, #tpu.memory_space<vmem>>) semaphore(%arg14 : memref<!tpu.dma_semaphore, #tpu.memory_space<semaphore_mem>>)
      %dma_wait3A_301 = arith.constant 0 : i32
      %dma_wait3A_302 = tpu.memref_slice %arg5[%add3A_283, %dma_wait3A_301] : memref<200x128xi32, #tpu.memory_space<vmem>> -> memref<1x128xi32, #tpu.memory_space<vmem>>
      %dma_wait3A_303 = tpu.memref_squeeze %dma_wait3A_302 : memref<1x128xi32, #tpu.memory_space<vmem>> -> memref<128xi32, #tpu.memory_space<vmem>>
      %dma_wait3A_304 = arith.constant 0 : i32
      %dma_wait3A_305 = arith.constant 0 : i32
      %dma_wait3A_306 = tpu.memref_slice %arg3[%dma_wait3A_304, %dma_wait3A_305] : memref<100000x128xf32, #tpu.memory_space<hbm>> -> memref<100000x128xf32, #tpu.memory_space<hbm>>
      tpu.wait_indirect_dma semaphore(%arg17 : memref<!tpu.dma_semaphore, #tpu.memory_space<semaphore_mem>>) src(%dma_wait3A_306 : memref<100000x128xf32, #tpu.memory_space<hbm>>) dst(%arg11 : memref<128x128xf32, #tpu.memory_space<vmem>>)
      %mul3A_307 = arith.constant 128 : i32
      %mul3A_308 = arith.muli %add3A_283, %mul3A_307 : i32
      %add3A_309 = arith.addi %mul3A_2, %mul3A_308 : i32
      %dma_start3A_310 = arith.constant 0 : i32
      %dma_start3A_311 = tpu.memref_slice %arg4[%add3A_309, %dma_start3A_310] : memref<819200x128xf32, #tpu.memory_space<hbm>> -> memref<128x128xf32, #tpu.memory_space<hbm>>
      %dma_start3A_312 = arith.constant 0 : i32
      %dma_start3A_313 = tpu.memref_slice %arg4[%add3A_309, %dma_start3A_312] : memref<819200x128xf32, #tpu.memory_space<hbm>> -> memref<128x128xf32, #tpu.memory_space<hbm>>
      tpu.enqueue_dma source(%arg11 : memref<128x128xf32, #tpu.memory_space<vmem>>) target(%dma_start3A_313 : memref<128x128xf32, #tpu.memory_space<hbm>>) target_semaphore(%arg23 : memref<!tpu.dma_semaphore, #tpu.memory_space<semaphore_mem>>)
      %add3A_314 = arith.constant 3 : i32
      %add3A_315 = arith.addi %add3A_218, %add3A_314 : i32
      %sub3A_316 = arith.constant 3 : i32
      %sub3A_317 = arith.subi %add3A_315, %sub3A_316 : i32
      %mul3A_318 = arith.constant 128 : i32
      %mul3A_319 = arith.muli %sub3A_317, %mul3A_318 : i32
      %add3A_320 = arith.addi %mul3A_2, %mul3A_319 : i32
      %dma_wait3A_321 = arith.constant 0 : i32
      %dma_wait3A_322 = tpu.memref_slice %arg4[%add3A_320, %dma_wait3A_321] : memref<819200x128xf32, #tpu.memory_space<hbm>> -> memref<128x128xf32, #tpu.memory_space<hbm>>
      %dma_wait3A_323 = arith.constant 0 : i32
      %dma_wait3A_324 = tpu.memref_slice %arg4[%add3A_320, %dma_wait3A_323] : memref<819200x128xf32, #tpu.memory_space<hbm>> -> memref<128x128xf32, #tpu.memory_space<hbm>>
      tpu.wait_dma2 semaphore(%arg21 : memref<!tpu.dma_semaphore, #tpu.memory_space<semaphore_mem>>) src(%arg9 : memref<128x128xf32, #tpu.memory_space<vmem>>) dst(%dma_wait3A_324 : memref<128x128xf32, #tpu.memory_space<hbm>>)
      %add3A_325 = arith.constant 3 : i32
      %add3A_326 = arith.addi %add3A_315, %add3A_325 : i32
      %dma_start3A_327 = arith.constant 0 : i32
      %dma_start3A_328 = tpu.memref_slice %arg5[%add3A_326, %dma_start3A_327] : memref<200x128xi32, #tpu.memory_space<vmem>> -> memref<1x128xi32, #tpu.memory_space<vmem>>
      %dma_start3A_329 = tpu.memref_squeeze %dma_start3A_328 : memref<1x128xi32, #tpu.memory_space<vmem>> -> memref<128xi32, #tpu.memory_space<vmem>>
      %dma_start3A_330 = arith.constant 0 : i32
      %dma_start3A_331 = arith.constant 0 : i32
      %dma_start3A_332 = tpu.memref_slice %arg3[%dma_start3A_330, %dma_start3A_331] : memref<100000x128xf32, #tpu.memory_space<hbm>> -> memref<100000x128xf32, #tpu.memory_space<hbm>>
      tpu.enqueue_indirect_dma source(%dma_start3A_332 : memref<100000x128xf32, #tpu.memory_space<hbm>>) target(%arg9 : memref<128x128xf32, #tpu.memory_space<vmem>>) offsets(%dma_start3A_329 : memref<128xi32, #tpu.memory_space<vmem>>) semaphore(%arg15 : memref<!tpu.dma_semaphore, #tpu.memory_space<semaphore_mem>>)
      %dma_wait3A_333 = arith.constant 0 : i32
      %dma_wait3A_334 = tpu.memref_slice %arg5[%add3A_315, %dma_wait3A_333] : memref<200x128xi32, #tpu.memory_space<vmem>> -> memref<1x128xi32, #tpu.memory_space<vmem>>
      %dma_wait3A_335 = tpu.memref_squeeze %dma_wait3A_334 : memref<1x128xi32, #tpu.memory_space<vmem>> -> memref<128xi32, #tpu.memory_space<vmem>>
      %dma_wait3A_336 = arith.constant 0 : i32
      %dma_wait3A_337 = arith.constant 0 : i32
      %dma_wait3A_338 = tpu.memref_slice %arg3[%dma_wait3A_336, %dma_wait3A_337] : memref<100000x128xf32, #tpu.memory_space<hbm>> -> memref<100000x128xf32, #tpu.memory_space<hbm>>
      tpu.wait_indirect_dma semaphore(%arg12 : memref<!tpu.dma_semaphore, #tpu.memory_space<semaphore_mem>>) src(%dma_wait3A_338 : memref<100000x128xf32, #tpu.memory_space<hbm>>) dst(%arg6 : memref<128x128xf32, #tpu.memory_space<vmem>>)
      %mul3A_339 = arith.constant 128 : i32
      %mul3A_340 = arith.muli %add3A_315, %mul3A_339 : i32
      %add3A_341 = arith.addi %mul3A_2, %mul3A_340 : i32
      %dma_start3A_342 = arith.constant 0 : i32
      %dma_start3A_343 = tpu.memref_slice %arg4[%add3A_341, %dma_start3A_342] : memref<819200x128xf32, #tpu.memory_space<hbm>> -> memref<128x128xf32, #tpu.memory_space<hbm>>
      %dma_start3A_344 = arith.constant 0 : i32
      %dma_start3A_345 = tpu.memref_slice %arg4[%add3A_341, %dma_start3A_344] : memref<819200x128xf32, #tpu.memory_space<hbm>> -> memref<128x128xf32, #tpu.memory_space<hbm>>
      tpu.enqueue_dma source(%arg6 : memref<128x128xf32, #tpu.memory_space<vmem>>) target(%dma_start3A_345 : memref<128x128xf32, #tpu.memory_space<hbm>>) target_semaphore(%arg18 : memref<!tpu.dma_semaphore, #tpu.memory_space<semaphore_mem>>)
      %add3A_346 = arith.constant 4 : i32
      %add3A_347 = arith.addi %add3A_218, %add3A_346 : i32
      %sub3A_348 = arith.constant 3 : i32
      %sub3A_349 = arith.subi %add3A_347, %sub3A_348 : i32
      %mul3A_350 = arith.constant 128 : i32
      %mul3A_351 = arith.muli %sub3A_349, %mul3A_350 : i32
      %add3A_352 = arith.addi %mul3A_2, %mul3A_351 : i32
      %dma_wait3A_353 = arith.constant 0 : i32
      %dma_wait3A_354 = tpu.memref_slice %arg4[%add3A_352, %dma_wait3A_353] : memref<819200x128xf32, #tpu.memory_space<hbm>> -> memref<128x128xf32, #tpu.memory_space<hbm>>
      %dma_wait3A_355 = arith.constant 0 : i32
      %dma_wait3A_356 = tpu.memref_slice %arg4[%add3A_352, %dma_wait3A_355] : memref<819200x128xf32, #tpu.memory_space<hbm>> -> memref<128x128xf32, #tpu.memory_space<hbm>>
      tpu.wait_dma2 semaphore(%arg22 : memref<!tpu.dma_semaphore, #tpu.memory_space<semaphore_mem>>) src(%arg10 : memref<128x128xf32, #tpu.memory_space<vmem>>) dst(%dma_wait3A_356 : memref<128x128xf32, #tpu.memory_space<hbm>>)
      %add3A_357 = arith.constant 3 : i32
      %add3A_358 = arith.addi %add3A_347, %add3A_357 : i32
      %dma_start3A_359 = arith.constant 0 : i32
      %dma_start3A_360 = tpu.memref_slice %arg5[%add3A_358, %dma_start3A_359] : memref<200x128xi32, #tpu.memory_space<vmem>> -> memref<1x128xi32, #tpu.memory_space<vmem>>
      %dma_start3A_361 = tpu.memref_squeeze %dma_start3A_360 : memref<1x128xi32, #tpu.memory_space<vmem>> -> memref<128xi32, #tpu.memory_space<vmem>>
      %dma_start3A_362 = arith.constant 0 : i32
      %dma_start3A_363 = arith.constant 0 : i32
      %dma_start3A_364 = tpu.memref_slice %arg3[%dma_start3A_362, %dma_start3A_363] : memref<100000x128xf32, #tpu.memory_space<hbm>> -> memref<100000x128xf32, #tpu.memory_space<hbm>>
      tpu.enqueue_indirect_dma source(%dma_start3A_364 : memref<100000x128xf32, #tpu.memory_space<hbm>>) target(%arg10 : memref<128x128xf32, #tpu.memory_space<vmem>>) offsets(%dma_start3A_361 : memref<128xi32, #tpu.memory_space<vmem>>) semaphore(%arg16 : memref<!tpu.dma_semaphore, #tpu.memory_space<semaphore_mem>>)
      %dma_wait3A_365 = arith.constant 0 : i32
      %dma_wait3A_366 = tpu.memref_slice %arg5[%add3A_347, %dma_wait3A_365] : memref<200x128xi32, #tpu.memory_space<vmem>> -> memref<1x128xi32, #tpu.memory_space<vmem>>
      %dma_wait3A_367 = tpu.memref_squeeze %dma_wait3A_366 : memref<1x128xi32, #tpu.memory_space<vmem>> -> memref<128xi32, #tpu.memory_space<vmem>>
      %dma_wait3A_368 = arith.constant 0 : i32
      %dma_wait3A_369 = arith.constant 0 : i32
      %dma_wait3A_370 = tpu.memref_slice %arg3[%dma_wait3A_368, %dma_wait3A_369] : memref<100000x128xf32, #tpu.memory_space<hbm>> -> memref<100000x128xf32, #tpu.memory_space<hbm>>
      tpu.wait_indirect_dma semaphore(%arg13 : memref<!tpu.dma_semaphore, #tpu.memory_space<semaphore_mem>>) src(%dma_wait3A_370 : memref<100000x128xf32, #tpu.memory_space<hbm>>) dst(%arg7 : memref<128x128xf32, #tpu.memory_space<vmem>>)
      %mul3A_371 = arith.constant 128 : i32
      %mul3A_372 = arith.muli %add3A_347, %mul3A_371 : i32
      %add3A_373 = arith.addi %mul3A_2, %mul3A_372 : i32
      %dma_start3A_374 = arith.constant 0 : i32
      %dma_start3A_375 = tpu.memref_slice %arg4[%add3A_373, %dma_start3A_374] : memref<819200x128xf32, #tpu.memory_space<hbm>> -> memref<128x128xf32, #tpu.memory_space<hbm>>
      %dma_start3A_376 = arith.constant 0 : i32
      %dma_start3A_377 = tpu.memref_slice %arg4[%add3A_373, %dma_start3A_376] : memref<819200x128xf32, #tpu.memory_space<hbm>> -> memref<128x128xf32, #tpu.memory_space<hbm>>
      tpu.enqueue_dma source(%arg7 : memref<128x128xf32, #tpu.memory_space<vmem>>) target(%dma_start3A_377 : memref<128x128xf32, #tpu.memory_space<hbm>>) target_semaphore(%arg19 : memref<!tpu.dma_semaphore, #tpu.memory_space<semaphore_mem>>)
      %add3A_378 = arith.constant 5 : i32
      %add3A_379 = arith.addi %add3A_218, %add3A_378 : i32
      %sub3A_380 = arith.constant 3 : i32
      %sub3A_381 = arith.subi %add3A_379, %sub3A_380 : i32
      %mul3A_382 = arith.constant 128 : i32
      %mul3A_383 = arith.muli %sub3A_381, %mul3A_382 : i32
      %add3A_384 = arith.addi %mul3A_2, %mul3A_383 : i32
      %dma_wait3A_385 = arith.constant 0 : i32
      %dma_wait3A_386 = tpu.memref_slice %arg4[%add3A_384, %dma_wait3A_385] : memref<819200x128xf32, #tpu.memory_space<hbm>> -> memref<128x128xf32, #tpu.memory_space<hbm>>
      %dma_wait3A_387 = arith.constant 0 : i32
      %dma_wait3A_388 = tpu.memref_slice %arg4[%add3A_384, %dma_wait3A_387] : memref<819200x128xf32, #tpu.memory_space<hbm>> -> memref<128x128xf32, #tpu.memory_space<hbm>>
      tpu.wait_dma2 semaphore(%arg23 : memref<!tpu.dma_semaphore, #tpu.memory_space<semaphore_mem>>) src(%arg11 : memref<128x128xf32, #tpu.memory_space<vmem>>) dst(%dma_wait3A_388 : memref<128x128xf32, #tpu.memory_space<hbm>>)
      %add3A_389 = arith.constant 3 : i32
      %add3A_390 = arith.addi %add3A_379, %add3A_389 : i32
      %dma_start3A_391 = arith.constant 0 : i32
      %dma_start3A_392 = tpu.memref_slice %arg5[%add3A_390, %dma_start3A_391] : memref<200x128xi32, #tpu.memory_space<vmem>> -> memref<1x128xi32, #tpu.memory_space<vmem>>
      %dma_start3A_393 = tpu.memref_squeeze %dma_start3A_392 : memref<1x128xi32, #tpu.memory_space<vmem>> -> memref<128xi32, #tpu.memory_space<vmem>>
      %dma_start3A_394 = arith.constant 0 : i32
      %dma_start3A_395 = arith.constant 0 : i32
      %dma_start3A_396 = tpu.memref_slice %arg3[%dma_start3A_394, %dma_start3A_395] : memref<100000x128xf32, #tpu.memory_space<hbm>> -> memref<100000x128xf32, #tpu.memory_space<hbm>>
      tpu.enqueue_indirect_dma source(%dma_start3A_396 : memref<100000x128xf32, #tpu.memory_space<hbm>>) target(%arg11 : memref<128x128xf32, #tpu.memory_space<vmem>>) offsets(%dma_start3A_393 : memref<128xi32, #tpu.memory_space<vmem>>) semaphore(%arg17 : memref<!tpu.dma_semaphore, #tpu.memory_space<semaphore_mem>>)
      %dma_wait3A_397 = arith.constant 0 : i32
      %dma_wait3A_398 = tpu.memref_slice %arg5[%add3A_379, %dma_wait3A_397] : memref<200x128xi32, #tpu.memory_space<vmem>> -> memref<1x128xi32, #tpu.memory_space<vmem>>
      %dma_wait3A_399 = tpu.memref_squeeze %dma_wait3A_398 : memref<1x128xi32, #tpu.memory_space<vmem>> -> memref<128xi32, #tpu.memory_space<vmem>>
      %dma_wait3A_400 = arith.constant 0 : i32
      %dma_wait3A_401 = arith.constant 0 : i32
      %dma_wait3A_402 = tpu.memref_slice %arg3[%dma_wait3A_400, %dma_wait3A_401] : memref<100000x128xf32, #tpu.memory_space<hbm>> -> memref<100000x128xf32, #tpu.memory_space<hbm>>
      tpu.wait_indirect_dma semaphore(%arg14 : memref<!tpu.dma_semaphore, #tpu.memory_space<semaphore_mem>>) src(%dma_wait3A_402 : memref<100000x128xf32, #tpu.memory_space<hbm>>) dst(%arg8 : memref<128x128xf32, #tpu.memory_space<vmem>>)
      %mul3A_403 = arith.constant 128 : i32
      %mul3A_404 = arith.muli %add3A_379, %mul3A_403 : i32
      %add3A_405 = arith.addi %mul3A_2, %mul3A_404 : i32
      %dma_start3A_406 = arith.constant 0 : i32
      %dma_start3A_407 = tpu.memref_slice %arg4[%add3A_405, %dma_start3A_406] : memref<819200x128xf32, #tpu.memory_space<hbm>> -> memref<128x128xf32, #tpu.memory_space<hbm>>
      %dma_start3A_408 = arith.constant 0 : i32
      %dma_start3A_409 = tpu.memref_slice %arg4[%add3A_405, %dma_start3A_408] : memref<819200x128xf32, #tpu.memory_space<hbm>> -> memref<128x128xf32, #tpu.memory_space<hbm>>
      tpu.enqueue_dma source(%arg8 : memref<128x128xf32, #tpu.memory_space<vmem>>) target(%dma_start3A_409 : memref<128x128xf32, #tpu.memory_space<hbm>>) target_semaphore(%arg20 : memref<!tpu.dma_semaphore, #tpu.memory_space<semaphore_mem>>)
    }
    %scan3A_86 = arith.constant 32 : i32
    %add3A_87 = arith.constant 24576 : i32
    %add3A_88 = arith.addi %mul3A_2, %add3A_87 : i32
    %dma_wait3A_89 = arith.constant 0 : i32
    %dma_wait3A_90 = tpu.memref_slice %arg4[%add3A_88, %dma_wait3A_89] : memref<819200x128xf32, #tpu.memory_space<hbm>> -> memref<128x128xf32, #tpu.memory_space<hbm>>
    %dma_wait3A_91 = arith.constant 0 : i32
    %dma_wait3A_92 = tpu.memref_slice %arg4[%add3A_88, %dma_wait3A_91] : memref<819200x128xf32, #tpu.memory_space<hbm>> -> memref<128x128xf32, #tpu.memory_space<hbm>>
    tpu.wait_dma2 semaphore(%arg18 : memref<!tpu.dma_semaphore, #tpu.memory_space<semaphore_mem>>) src(%arg6 : memref<128x128xf32, #tpu.memory_space<vmem>>) dst(%dma_wait3A_92 : memref<128x128xf32, #tpu.memory_space<hbm>>)
    %dma_start3A_93 = arith.constant 198 : i32
    %dma_start3A_94 = arith.constant 0 : i32
    %dma_start3A_95 = tpu.memref_slice %arg5[%dma_start3A_93, %dma_start3A_94] : memref<200x128xi32, #tpu.memory_space<vmem>> -> memref<1x128xi32, #tpu.memory_space<vmem>>
    %dma_start3A_96 = tpu.memref_squeeze %dma_start3A_95 : memref<1x128xi32, #tpu.memory_space<vmem>> -> memref<128xi32, #tpu.memory_space<vmem>>
    %dma_start3A_97 = arith.constant 0 : i32
    %dma_start3A_98 = arith.constant 0 : i32
    %dma_start3A_99 = tpu.memref_slice %arg3[%dma_start3A_97, %dma_start3A_98] : memref<100000x128xf32, #tpu.memory_space<hbm>> -> memref<100000x128xf32, #tpu.memory_space<hbm>>
    tpu.enqueue_indirect_dma source(%dma_start3A_99 : memref<100000x128xf32, #tpu.memory_space<hbm>>) target(%arg6 : memref<128x128xf32, #tpu.memory_space<vmem>>) offsets(%dma_start3A_96 : memref<128xi32, #tpu.memory_space<vmem>>) semaphore(%arg12 : memref<!tpu.dma_semaphore, #tpu.memory_space<semaphore_mem>>)
    %dma_wait3A_100 = arith.constant 195 : i32
    %dma_wait3A_101 = arith.constant 0 : i32
    %dma_wait3A_102 = tpu.memref_slice %arg5[%dma_wait3A_100, %dma_wait3A_101] : memref<200x128xi32, #tpu.memory_space<vmem>> -> memref<1x128xi32, #tpu.memory_space<vmem>>
    %dma_wait3A_103 = tpu.memref_squeeze %dma_wait3A_102 : memref<1x128xi32, #tpu.memory_space<vmem>> -> memref<128xi32, #tpu.memory_space<vmem>>
    %dma_wait3A_104 = arith.constant 0 : i32
    %dma_wait3A_105 = arith.constant 0 : i32
    %dma_wait3A_106 = tpu.memref_slice %arg3[%dma_wait3A_104, %dma_wait3A_105] : memref<100000x128xf32, #tpu.memory_space<hbm>> -> memref<100000x128xf32, #tpu.memory_space<hbm>>
    tpu.wait_indirect_dma semaphore(%arg15 : memref<!tpu.dma_semaphore, #tpu.memory_space<semaphore_mem>>) src(%dma_wait3A_106 : memref<100000x128xf32, #tpu.memory_space<hbm>>) dst(%arg9 : memref<128x128xf32, #tpu.memory_space<vmem>>)
    %add3A_107 = arith.constant 24960 : i32
    %add3A_108 = arith.addi %mul3A_2, %add3A_107 : i32
    %dma_start3A_109 = arith.constant 0 : i32
    %dma_start3A_110 = tpu.memref_slice %arg4[%add3A_108, %dma_start3A_109] : memref<819200x128xf32, #tpu.memory_space<hbm>> -> memref<128x128xf32, #tpu.memory_space<hbm>>
    %dma_start3A_111 = arith.constant 0 : i32
    %dma_start3A_112 = tpu.memref_slice %arg4[%add3A_108, %dma_start3A_111] : memref<819200x128xf32, #tpu.memory_space<hbm>> -> memref<128x128xf32, #tpu.memory_space<hbm>>
    tpu.enqueue_dma source(%arg9 : memref<128x128xf32, #tpu.memory_space<vmem>>) target(%dma_start3A_112 : memref<128x128xf32, #tpu.memory_space<hbm>>) target_semaphore(%arg21 : memref<!tpu.dma_semaphore, #tpu.memory_space<semaphore_mem>>)
    %add3A_113 = arith.constant 24704 : i32
    %add3A_114 = arith.addi %mul3A_2, %add3A_113 : i32
    %dma_wait3A_115 = arith.constant 0 : i32
    %dma_wait3A_116 = tpu.memref_slice %arg4[%add3A_114, %dma_wait3A_115] : memref<819200x128xf32, #tpu.memory_space<hbm>> -> memref<128x128xf32, #tpu.memory_space<hbm>>
    %dma_wait3A_117 = arith.constant 0 : i32
    %dma_wait3A_118 = tpu.memref_slice %arg4[%add3A_114, %dma_wait3A_117] : memref<819200x128xf32, #tpu.memory_space<hbm>> -> memref<128x128xf32, #tpu.memory_space<hbm>>
    tpu.wait_dma2 semaphore(%arg19 : memref<!tpu.dma_semaphore, #tpu.memory_space<semaphore_mem>>) src(%arg7 : memref<128x128xf32, #tpu.memory_space<vmem>>) dst(%dma_wait3A_118 : memref<128x128xf32, #tpu.memory_space<hbm>>)
    %dma_start3A_119 = arith.constant 199 : i32
    %dma_start3A_120 = arith.constant 0 : i32
    %dma_start3A_121 = tpu.memref_slice %arg5[%dma_start3A_119, %dma_start3A_120] : memref<200x128xi32, #tpu.memory_space<vmem>> -> memref<1x128xi32, #tpu.memory_space<vmem>>
    %dma_start3A_122 = tpu.memref_squeeze %dma_start3A_121 : memref<1x128xi32, #tpu.memory_space<vmem>> -> memref<128xi32, #tpu.memory_space<vmem>>
    %dma_start3A_123 = arith.constant 0 : i32
    %dma_start3A_124 = arith.constant 0 : i32
    %dma_start3A_125 = tpu.memref_slice %arg3[%dma_start3A_123, %dma_start3A_124] : memref<100000x128xf32, #tpu.memory_space<hbm>> -> memref<100000x128xf32, #tpu.memory_space<hbm>>
    tpu.enqueue_indirect_dma source(%dma_start3A_125 : memref<100000x128xf32, #tpu.memory_space<hbm>>) target(%arg7 : memref<128x128xf32, #tpu.memory_space<vmem>>) offsets(%dma_start3A_122 : memref<128xi32, #tpu.memory_space<vmem>>) semaphore(%arg13 : memref<!tpu.dma_semaphore, #tpu.memory_space<semaphore_mem>>)
    %dma_wait3A_126 = arith.constant 196 : i32
    %dma_wait3A_127 = arith.constant 0 : i32
    %dma_wait3A_128 = tpu.memref_slice %arg5[%dma_wait3A_126, %dma_wait3A_127] : memref<200x128xi32, #tpu.memory_space<vmem>> -> memref<1x128xi32, #tpu.memory_space<vmem>>
    %dma_wait3A_129 = tpu.memref_squeeze %dma_wait3A_128 : memref<1x128xi32, #tpu.memory_space<vmem>> -> memref<128xi32, #tpu.memory_space<vmem>>
    %dma_wait3A_130 = arith.constant 0 : i32
    %dma_wait3A_131 = arith.constant 0 : i32
    %dma_wait3A_132 = tpu.memref_slice %arg3[%dma_wait3A_130, %dma_wait3A_131] : memref<100000x128xf32, #tpu.memory_space<hbm>> -> memref<100000x128xf32, #tpu.memory_space<hbm>>
    tpu.wait_indirect_dma semaphore(%arg16 : memref<!tpu.dma_semaphore, #tpu.memory_space<semaphore_mem>>) src(%dma_wait3A_132 : memref<100000x128xf32, #tpu.memory_space<hbm>>) dst(%arg10 : memref<128x128xf32, #tpu.memory_space<vmem>>)
    %add3A_133 = arith.constant 25088 : i32
    %add3A_134 = arith.addi %mul3A_2, %add3A_133 : i32
    %dma_start3A_135 = arith.constant 0 : i32
    %dma_start3A_136 = tpu.memref_slice %arg4[%add3A_134, %dma_start3A_135] : memref<819200x128xf32, #tpu.memory_space<hbm>> -> memref<128x128xf32, #tpu.memory_space<hbm>>
    %dma_start3A_137 = arith.constant 0 : i32
    %dma_start3A_138 = tpu.memref_slice %arg4[%add3A_134, %dma_start3A_137] : memref<819200x128xf32, #tpu.memory_space<hbm>> -> memref<128x128xf32, #tpu.memory_space<hbm>>
    tpu.enqueue_dma source(%arg10 : memref<128x128xf32, #tpu.memory_space<vmem>>) target(%dma_start3A_138 : memref<128x128xf32, #tpu.memory_space<hbm>>) target_semaphore(%arg22 : memref<!tpu.dma_semaphore, #tpu.memory_space<semaphore_mem>>)
    %add3A_139 = arith.constant 24832 : i32
    %add3A_140 = arith.addi %mul3A_2, %add3A_139 : i32
    %dma_wait3A_141 = arith.constant 0 : i32
    %dma_wait3A_142 = tpu.memref_slice %arg4[%add3A_140, %dma_wait3A_141] : memref<819200x128xf32, #tpu.memory_space<hbm>> -> memref<128x128xf32, #tpu.memory_space<hbm>>
    %dma_wait3A_143 = arith.constant 0 : i32
    %dma_wait3A_144 = tpu.memref_slice %arg4[%add3A_140, %dma_wait3A_143] : memref<819200x128xf32, #tpu.memory_space<hbm>> -> memref<128x128xf32, #tpu.memory_space<hbm>>
    tpu.wait_dma2 semaphore(%arg20 : memref<!tpu.dma_semaphore, #tpu.memory_space<semaphore_mem>>) src(%arg8 : memref<128x128xf32, #tpu.memory_space<vmem>>) dst(%dma_wait3A_144 : memref<128x128xf32, #tpu.memory_space<hbm>>)
    %dma_wait3A_145 = arith.constant 197 : i32
    %dma_wait3A_146 = arith.constant 0 : i32
    %dma_wait3A_147 = tpu.memref_slice %arg5[%dma_wait3A_145, %dma_wait3A_146] : memref<200x128xi32, #tpu.memory_space<vmem>> -> memref<1x128xi32, #tpu.memory_space<vmem>>
    %dma_wait3A_148 = tpu.memref_squeeze %dma_wait3A_147 : memref<1x128xi32, #tpu.memory_space<vmem>> -> memref<128xi32, #tpu.memory_space<vmem>>
    %dma_wait3A_149 = arith.constant 0 : i32
    %dma_wait3A_150 = arith.constant 0 : i32
    %dma_wait3A_151 = tpu.memref_slice %arg3[%dma_wait3A_149, %dma_wait3A_150] : memref<100000x128xf32, #tpu.memory_space<hbm>> -> memref<100000x128xf32, #tpu.memory_space<hbm>>
    tpu.wait_indirect_dma semaphore(%arg17 : memref<!tpu.dma_semaphore, #tpu.memory_space<semaphore_mem>>) src(%dma_wait3A_151 : memref<100000x128xf32, #tpu.memory_space<hbm>>) dst(%arg11 : memref<128x128xf32, #tpu.memory_space<vmem>>)
    %add3A_152 = arith.constant 25216 : i32
    %add3A_153 = arith.addi %mul3A_2, %add3A_152 : i32
    %dma_start3A_154 = arith.constant 0 : i32
    %dma_start3A_155 = tpu.memref_slice %arg4[%add3A_153, %dma_start3A_154] : memref<819200x128xf32, #tpu.memory_space<hbm>> -> memref<128x128xf32, #tpu.memory_space<hbm>>
    %dma_start3A_156 = arith.constant 0 : i32
    %dma_start3A_157 = tpu.memref_slice %arg4[%add3A_153, %dma_start3A_156] : memref<819200x128xf32, #tpu.memory_space<hbm>> -> memref<128x128xf32, #tpu.memory_space<hbm>>
    tpu.enqueue_dma source(%arg11 : memref<128x128xf32, #tpu.memory_space<vmem>>) target(%dma_start3A_157 : memref<128x128xf32, #tpu.memory_space<hbm>>) target_semaphore(%arg23 : memref<!tpu.dma_semaphore, #tpu.memory_space<semaphore_mem>>)
    %add3A_158 = arith.constant 24960 : i32
    %add3A_159 = arith.addi %mul3A_2, %add3A_158 : i32
    %dma_wait3A_160 = arith.constant 0 : i32
    %dma_wait3A_161 = tpu.memref_slice %arg4[%add3A_159, %dma_wait3A_160] : memref<819200x128xf32, #tpu.memory_space<hbm>> -> memref<128x128xf32, #tpu.memory_space<hbm>>
    %dma_wait3A_162 = arith.constant 0 : i32
    %dma_wait3A_163 = tpu.memref_slice %arg4[%add3A_159, %dma_wait3A_162] : memref<819200x128xf32, #tpu.memory_space<hbm>> -> memref<128x128xf32, #tpu.memory_space<hbm>>
    tpu.wait_dma2 semaphore(%arg21 : memref<!tpu.dma_semaphore, #tpu.memory_space<semaphore_mem>>) src(%arg9 : memref<128x128xf32, #tpu.memory_space<vmem>>) dst(%dma_wait3A_163 : memref<128x128xf32, #tpu.memory_space<hbm>>)
    %dma_wait3A_164 = arith.constant 198 : i32
    %dma_wait3A_165 = arith.constant 0 : i32
    %dma_wait3A_166 = tpu.memref_slice %arg5[%dma_wait3A_164, %dma_wait3A_165] : memref<200x128xi32, #tpu.memory_space<vmem>> -> memref<1x128xi32, #tpu.memory_space<vmem>>
    %dma_wait3A_167 = tpu.memref_squeeze %dma_wait3A_166 : memref<1x128xi32, #tpu.memory_space<vmem>> -> memref<128xi32, #tpu.memory_space<vmem>>
    %dma_wait3A_168 = arith.constant 0 : i32
    %dma_wait3A_169 = arith.constant 0 : i32
    %dma_wait3A_170 = tpu.memref_slice %arg3[%dma_wait3A_168, %dma_wait3A_169] : memref<100000x128xf32, #tpu.memory_space<hbm>> -> memref<100000x128xf32, #tpu.memory_space<hbm>>
    tpu.wait_indirect_dma semaphore(%arg12 : memref<!tpu.dma_semaphore, #tpu.memory_space<semaphore_mem>>) src(%dma_wait3A_170 : memref<100000x128xf32, #tpu.memory_space<hbm>>) dst(%arg6 : memref<128x128xf32, #tpu.memory_space<vmem>>)
    %add3A_171 = arith.constant 25344 : i32
    %add3A_172 = arith.addi %mul3A_2, %add3A_171 : i32
    %dma_start3A_173 = arith.constant 0 : i32
    %dma_start3A_174 = tpu.memref_slice %arg4[%add3A_172, %dma_start3A_173] : memref<819200x128xf32, #tpu.memory_space<hbm>> -> memref<128x128xf32, #tpu.memory_space<hbm>>
    %dma_start3A_175 = arith.constant 0 : i32
    %dma_start3A_176 = tpu.memref_slice %arg4[%add3A_172, %dma_start3A_175] : memref<819200x128xf32, #tpu.memory_space<hbm>> -> memref<128x128xf32, #tpu.memory_space<hbm>>
    tpu.enqueue_dma source(%arg6 : memref<128x128xf32, #tpu.memory_space<vmem>>) target(%dma_start3A_176 : memref<128x128xf32, #tpu.memory_space<hbm>>) target_semaphore(%arg18 : memref<!tpu.dma_semaphore, #tpu.memory_space<semaphore_mem>>)
    %add3A_177 = arith.constant 25088 : i32
    %add3A_178 = arith.addi %mul3A_2, %add3A_177 : i32
    %dma_wait3A_179 = arith.constant 0 : i32
    %dma_wait3A_180 = tpu.memref_slice %arg4[%add3A_178, %dma_wait3A_179] : memref<819200x128xf32, #tpu.memory_space<hbm>> -> memref<128x128xf32, #tpu.memory_space<hbm>>
    %dma_wait3A_181 = arith.constant 0 : i32
    %dma_wait3A_182 = tpu.memref_slice %arg4[%add3A_178, %dma_wait3A_181] : memref<819200x128xf32, #tpu.memory_space<hbm>> -> memref<128x128xf32, #tpu.memory_space<hbm>>
    tpu.wait_dma2 semaphore(%arg22 : memref<!tpu.dma_semaphore, #tpu.memory_space<semaphore_mem>>) src(%arg10 : memref<128x128xf32, #tpu.memory_space<vmem>>) dst(%dma_wait3A_182 : memref<128x128xf32, #tpu.memory_space<hbm>>)
    %dma_wait3A_183 = arith.constant 199 : i32
    %dma_wait3A_184 = arith.constant 0 : i32
    %dma_wait3A_185 = tpu.memref_slice %arg5[%dma_wait3A_183, %dma_wait3A_184] : memref<200x128xi32, #tpu.memory_space<vmem>> -> memref<1x128xi32, #tpu.memory_space<vmem>>
    %dma_wait3A_186 = tpu.memref_squeeze %dma_wait3A_185 : memref<1x128xi32, #tpu.memory_space<vmem>> -> memref<128xi32, #tpu.memory_space<vmem>>
    %dma_wait3A_187 = arith.constant 0 : i32
    %dma_wait3A_188 = arith.constant 0 : i32
    %dma_wait3A_189 = tpu.memref_slice %arg3[%dma_wait3A_187, %dma_wait3A_188] : memref<100000x128xf32, #tpu.memory_space<hbm>> -> memref<100000x128xf32, #tpu.memory_space<hbm>>
    tpu.wait_indirect_dma semaphore(%arg13 : memref<!tpu.dma_semaphore, #tpu.memory_space<semaphore_mem>>) src(%dma_wait3A_189 : memref<100000x128xf32, #tpu.memory_space<hbm>>) dst(%arg7 : memref<128x128xf32, #tpu.memory_space<vmem>>)
    %add3A_190 = arith.constant 25472 : i32
    %add3A_191 = arith.addi %mul3A_2, %add3A_190 : i32
    %dma_start3A_192 = arith.constant 0 : i32
    %dma_start3A_193 = tpu.memref_slice %arg4[%add3A_191, %dma_start3A_192] : memref<819200x128xf32, #tpu.memory_space<hbm>> -> memref<128x128xf32, #tpu.memory_space<hbm>>
    %dma_start3A_194 = arith.constant 0 : i32
    %dma_start3A_195 = tpu.memref_slice %arg4[%add3A_191, %dma_start3A_194] : memref<819200x128xf32, #tpu.memory_space<hbm>> -> memref<128x128xf32, #tpu.memory_space<hbm>>
    tpu.enqueue_dma source(%arg7 : memref<128x128xf32, #tpu.memory_space<vmem>>) target(%dma_start3A_195 : memref<128x128xf32, #tpu.memory_space<hbm>>) target_semaphore(%arg19 : memref<!tpu.dma_semaphore, #tpu.memory_space<semaphore_mem>>)
    %add3A_196 = arith.constant 25216 : i32
    %add3A_197 = arith.addi %mul3A_2, %add3A_196 : i32
    %dma_wait3A_198 = arith.constant 0 : i32
    %dma_wait3A_199 = tpu.memref_slice %arg4[%add3A_197, %dma_wait3A_198] : memref<819200x128xf32, #tpu.memory_space<hbm>> -> memref<128x128xf32, #tpu.memory_space<hbm>>
    %dma_wait3A_200 = arith.constant 0 : i32
    %dma_wait3A_201 = tpu.memref_slice %arg4[%add3A_197, %dma_wait3A_200] : memref<819200x128xf32, #tpu.memory_space<hbm>> -> memref<128x128xf32, #tpu.memory_space<hbm>>
    tpu.wait_dma2 semaphore(%arg23 : memref<!tpu.dma_semaphore, #tpu.memory_space<semaphore_mem>>) src(%arg11 : memref<128x128xf32, #tpu.memory_space<vmem>>) dst(%dma_wait3A_201 : memref<128x128xf32, #tpu.memory_space<hbm>>)
    %add3A_202 = arith.constant 25344 : i32
    %add3A_203 = arith.addi %mul3A_2, %add3A_202 : i32
    %dma_wait3A_204 = arith.constant 0 : i32
    %dma_wait3A_205 = tpu.memref_slice %arg4[%add3A_203, %dma_wait3A_204] : memref<819200x128xf32, #tpu.memory_space<hbm>> -> memref<128x128xf32, #tpu.memory_space<hbm>>
    %dma_wait3A_206 = arith.constant 0 : i32
    %dma_wait3A_207 = tpu.memref_slice %arg4[%add3A_203, %dma_wait3A_206] : memref<819200x128xf32, #tpu.memory_space<hbm>> -> memref<128x128xf32, #tpu.memory_space<hbm>>
    tpu.wait_dma2 semaphore(%arg18 : memref<!tpu.dma_semaphore, #tpu.memory_space<semaphore_mem>>) src(%arg6 : memref<128x128xf32, #tpu.memory_space<vmem>>) dst(%dma_wait3A_207 : memref<128x128xf32, #tpu.memory_space<hbm>>)
    %add3A_208 = arith.constant 25472 : i32
    %add3A_209 = arith.addi %mul3A_2, %add3A_208 : i32
    %dma_wait3A_210 = arith.constant 0 : i32
    %dma_wait3A_211 = tpu.memref_slice %arg4[%add3A_209, %dma_wait3A_210] : memref<819200x128xf32, #tpu.memory_space<hbm>> -> memref<128x128xf32, #tpu.memory_space<hbm>>
    %dma_wait3A_212 = arith.constant 0 : i32
    %dma_wait3A_213 = tpu.memref_slice %arg4[%add3A_209, %dma_wait3A_212] : memref<819200x128xf32, #tpu.memory_space<hbm>> -> memref<128x128xf32, #tpu.memory_space<hbm>>
    tpu.wait_dma2 semaphore(%arg19 : memref<!tpu.dma_semaphore, #tpu.memory_space<semaphore_mem>>) src(%arg7 : memref<128x128xf32, #tpu.memory_space<vmem>>) dst(%dma_wait3A_213 : memref<128x128xf32, #tpu.memory_space<hbm>>)
    return
  }
}

</mosaic_0001>

<sc_bundles>
// kernel: kernel.3.cloned.1.call-start
scs
__scs_entry_jumppad:
0x0: {  	(pc) =	sbr.rel $0x88, $3  }
0x1: {  	(tag) =	ssettag $0x0;
	lr =	simm.s32 $0x1  }
0x2: {  	[smem:$0x3F9F] =	sst lr;
	_ =	strace $0xD0000000  }
0x3: {  	_ = 	snop  }
0x4: {  	_ = 	snop  }
0x5: {  	_ = 	snop  }
0x6: {  	_ = 	snop  }
0x7: {  	_ = 	snop  }
__scs_overlays_trampoline_lowered:
0x8: {  	[smem:$0x3FAE] =	sst s0  }
0x9: {  	[smem:$0x3FAF] =	sst s1  }
0xa: {  	[smem:$0x3FB0] =	sst s2  }
0xb: {  	[smem:$0x3FB1] =	sst s3  }
0xc: {  	[smem:$0x3FB2] =	sst s4  }
0xd: {  	[smem:$0x3FB3] =	sst s5  }
0xe: {  	[smem:$0x3FB4] =	sst s6  }
0xf: {  	[smem:$0x3FB5] =	sst s7  }
0x10: {  	[smem:$0x3FB6] =	sst s8  }
0x11: {  	[smem:$0x3FB7] =	sst s9;
	s0 =	simm.s32 @!p0 $0x0  }
0x12: {  	s1 =	sld [smem:$0x3F9D];
	s0 =	simm.s32 @p0 $0x1  }
0x13: {  	[smem:$0x3FB8] =	sst s0;
	s0 =	simm.s32 @!p1 $0x0  }
0x14: {  	s2 =	sld [smem:$0x3F9C];
	s0 =	simm.s32 @p1 $0x1  }
0x15: {  	[smem:$0x3FB9] =	sst s0;
	s0 =	simm.s32 @!p2 $0x0  }
0x16: {  	s3 =	sld [smem:$0x3FDB];
	s0 =	simm.s32 @p2 $0x1  }
0x17: {  	s4 =	simm.s32 $0x1BF5;
	[smem:$0x3FBB] =	sst s0  }
0x18: {  	s0 =	sld [smem:$0x3F9E];
	_ =	swait.ge [sflag:s4], $0x0  }
0x19: {  	s7 =	sld [smem:$0x3F9F]  }
0x1a: {  	s8 =	sadd.s32 $0xFFFFE003, lr  }
0x1b: {  	s9 =	sadd.s32 $0xFFFFFEF7, lr;
	s5 =	simm.s32 $0xFFFFFFFF;
	p2 =	slt.u32 s8, $0xFFFFF086  }
0x1c: {  	p1 =	slt.u32 s9, $0xF7A;
	s5 =	simm.s32 @!p2 $0x0  }
0x1d: {  	s5 =	simm.s32 @p1 $0x1;
	p0 =	seq.s32 s7, s2  }
0x1e: {  	s7 =	smul.u32 @!p0 $0xF7A, s2;
	p2 =	seq.s32 @!p0 s5, $0x0  }
0x1f: {  	s9 =	smul.u32 $0xF7A, s1;
	s8 =	simm.s32 @!p0 $0x1BF5;
	p2 =	por !p2, p0  }
0x20: {  	[sflag:s8] =	ssyncset.s32 @!p0 $0xFFFFF086;
	s6 =	sadd.s32 @!p0 s3, s7;
	s7 =	simm.s32 @!p0 $0x108  }
0x21: {  	s3 =	sadd.s32 s3, s9;
	s6 =	sadd.s32 @!p0 $0x88, s6;
	s7 =	simm.s32 @p2 $0x1082  }
0x22: {  	[simem:s7], [sflag:s8] =	dma.local @!p0 [hbm:s6], $0xF7A  }
0x23: {  	s9 =	sor.u32 $0xD0000000, s2;
	s6 =	simm.s32 $0x108;
	_ =	swait.ge @!p0 [sflag:s8], $0x0  }
0x24: {  	s3 =	sadd.s32 $0x88, s3;
	s6 =	simm.s32 @!p1 $0x1082;
	[sflag:s4] =	ssyncset.s32 $0xFFFFF086  }
0x25: {  	[simem:s6], [sflag:s4] =	dma.local [hbm:s3], $0xF7A  }
0x26: {  	[smem:$0x3F9F] =	sst s1;
	(tag) =	ssettag s2;
	_ =	strace s9  }
0x27: {  	s1 =	sld [smem:$0x3FAF]  }
0x28: {  	s2 =	sld [smem:$0x3FB0]  }
0x29: {  	s4 =	sld [smem:$0x3FB2]  }
0x2a: {  	p0 =	seq.s32 s5, $0x0;
	s5 =	sld [smem:$0x3FB3]  }
0x2b: {  	s6 =	sld [smem:$0x3FB4]  }
0x2c: {  	s7 =	sld [smem:$0x3FB5]  }
0x2d: {  	s3 =	simm.s32 $0x108;
	s8 =	sld [smem:$0x3FB6]  }
0x2e: {  	s3 =	simm.s32 @!p0 $0x1082;
	s9 =	sld [smem:$0x3FB7]  }
0x2f: {  	lr =	sadd.s32 s0, s3;
	s0 =	sld [smem:$0x3FAE]  }
0x30: {  	s3 =	sld [smem:$0x3FB1]  }
0x31: {  	[smem:$0x3FBA] =	sst s10  }
0x32: {  	s10 =	sld [smem:$0x3FB8];
	_ =	sdelay $0x3  }
0x33: {  	p0 =	seq.s32 s10, $0x1;
	s10 =	sld [smem:$0x3FBA];
	_ =	sdelay $0x3  }
0x34: {  	[smem:$0x3FBA] =	sst s10  }
0x35: {  	s10 =	sld [smem:$0x3FB9];
	_ =	sdelay $0x3  }
0x36: {  	p1 =	seq.s32 s10, $0x1;
	s10 =	sld [smem:$0x3FBA];
	_ =	sdelay $0x3  }
0x37: {  	[smem:$0x3FBA] =	sst s10  }
0x38: {  	s10 =	sld [smem:$0x3FBB]  }
0x39: {  	_ = 	snop;
	(pc) =	sbr.ind lr, $3  }
0x3a: {  	_ = 	snop  }
0x3b: {  	_ = 	snop  }
0x3c: {  	p2 =	seq.s32 s10, $0x1;
	s10 =	sld [smem:$0x3FBA]  }
0x3d: {  	_ =	shalt  }
0x3e: {  	_ =	shalt  }
0x3f: {  	_ =	shalt  }
0x40: {  	_ =	shalt  }
0x41: {  	_ =	shalt  }
0x42: {  	_ =	shalt  }
0x43: {  	_ =	shalt  }
0x44: {  	_ =	shalt  }
0x45: {  	_ =	shalt  }
0x46: {  	_ =	shalt  }
0x47: {  	_ =	shalt  }
0x48: {  	_ =	shalt  }
0x49: {  	_ =	shalt  }
0x4a: {  	_ =	shalt  }
0x4b: {  	_ =	shalt  }
0x4c: {  	_ =	shalt  }
0x4d: {  	_ =	shalt  }
0x4e: {  	_ =	shalt  }
0x4f: {  	_ =	shalt  }
0x50: {  	_ =	shalt  }
0x51: {  	_ =	shalt  }
0x52: {  	_ =	shalt  }
0x53: {  	_ =	shalt  }
0x54: {  	_ =	shalt  }
0x55: {  	_ =	shalt  }
0x56: {  	_ =	shalt  }
0x57: {  	_ =	shalt  }
0x58: {  	_ =	shalt  }
0x59: {  	_ =	shalt  }
0x5a: {  	_ =	shalt  }
0x5b: {  	_ =	shalt  }
0x5c: {  	_ =	shalt  }
0x5d: {  	_ =	shalt  }
0x5e: {  	_ =	shalt  }
0x5f: {  	_ =	shalt  }
0x60: {  	_ =	shalt  }
0x61: {  	_ =	shalt  }
0x62: {  	_ =	shalt  }
0x63: {  	_ =	shalt  }
0x64: {  	_ =	shalt  }
0x65: {  	_ =	shalt  }
0x66: {  	_ =	shalt  }
0x67: {  	_ =	shalt  }
0x68: {  	_ =	shalt  }
0x69: {  	_ =	shalt  }
0x6a: {  	_ =	shalt  }
0x6b: {  	_ =	shalt  }
0x6c: {  	_ =	shalt  }
0x6d: {  	_ =	shalt  }
0x6e: {  	_ =	shalt  }
0x6f: {  	_ =	shalt  }
0x70: {  	_ =	shalt  }
0x71: {  	_ =	shalt  }
0x72: {  	_ =	shalt  }
0x73: {  	_ =	shalt  }
0x74: {  	_ =	shalt  }
0x75: {  	_ =	shalt  }
0x76: {  	_ =	shalt  }
0x77: {  	_ =	shalt  }
0x78: {  	_ =	shalt  }
0x79: {  	_ =	shalt  }
0x7a: {  	_ =	shalt  }
0x7b: {  	_ =	shalt  }
0x7c: {  	_ =	shalt  }
0x7d: {  	_ =	shalt  }
0x7e: {  	_ =	shalt  }
0x7f: {  	_ =	shalt  }
0x80: {  	_ =	shalt  }
0x81: {  	_ =	shalt  }
0x82: {  	_ =	shalt  }
0x83: {  	_ =	shalt  }
0x84: {  	_ =	shalt  }
0x85: {  	_ =	shalt  }
0x86: {  	_ =	shalt  }
0x87: {  	_ =	shalt  }
.Lfunc_end0:
.L_simem_size_0:
called_computation_lowered:
.L_overlay_start_0:
0x88: {  	s2 =	sld [smem:$0x3FD9]  }
0x89: {  	s3 =	sld [smem:$0x3FFE];
	_ =	sdelay $0x1  }
0x8a: {  	s1 =	srdreg.scid  }
0x8b: {  	s0 =	sand.u32 $0x1, s1  }
0x8c: {  	s17 =	sshll.u32 s0, $0xA;
	s2 =	sadd.s32 s3, s2  }
0x8d: {  	s2 =	sadd.s32 s2, s17  }
0x8e: {  	[smem:$0x3FC6] =	sst s2  }
0x8f: {  	_ = 	snop  }
0x90: {  	s2 =	sld [smem:$0x3FC8]  }
0x91: {  	s18 =	sld [smem:$0x3FD0];
	(tm) =	ssettm $0x1  }
0x92: {  	s4 =	sld [smem:$0x3FFB];
	_ =	sdelay $0x3  }
0x93: {  	_ =	strace s4  }
0x94: {  	s4 =	sld [smem:$0x3FFC];
	_ =	sdelay $0x3  }
0x95: {  	_ =	strace s4  }
0x96: {  	s4 =	sld [smem:$0x3FFD];
	_ =	sdelay $0x3  }
0x97: {  	_ =	strace s4  }
0x98: {  	_ =	strace $0x8FFFFFFF  }
0x99: {  	s19 =	sld [smem:$0x3FDB];
	_ =	sdelay $0x1  }
0x9a: {  	s5 =	simm.s32 $_scs_section_size  }
0x9b: {  	s6 =	simm.s32 $_size__tile_overlayer_lowered;
	s7 =	simm.s32 $_tile_overlayer_lowered  }
0x9c: {  	s22 =	simm.s32 $0x1BFF;
	s21 =	sshll.u32 s7, $0x1;
	s4 =	sadd.s32 s5, s19  }
0x9d: {  	s8 =	simm.s32 $0x0;
	s20 =	sshll.u32 s6, $0x1;
	s6 =	sadd.s32 s21, s4  }
0x9e: {  	[timem:s8], [sflag:s22] =	dma.local [hbm:s6], s20  }
0x9f: {  	_ =	swait.ge [sflag:s22], s20  }
0xa0: {  	s5 =	ssub.s32 $0x0, s20;
	[sflag:s22] =	ssyncset.done $0x0  }
0xa1: {  	[sflag:s22] =	ssyncadd.s32 s5;
	_ =	sdelay $0x1  }
0xa2: {  	s23 =	simm.s32 $0x1B8B  }
0xa3: {  	_ =	swait.ge [sflag:s23], $0x1  }
0xa4: {  	[sflag:s23] =	ssyncset.done $0x0  }
0xa5: {  	s25 =	simm.s32 $0x1B8E;
	s24 =	sld [smem:$0x3FFE];
	[sflag:s23] =	ssyncadd.s32 $0xFFFFFFFF  }
0xa6: {  	s26 =	simm.s32 $execute0_lowered;
	[smem:$0x3FD2] =	sst s25  }
0xa7: {  	s6 =	sshll.u32 s26, $0x1;
	_ =	strace $0x80000046;
	[dreg:$0x1] =	wrdreg $0xFFFFFFFF  }
0xa8: {  	s28 =	simm.s32 $_size_execute0_lowered;
	s4 =	sadd.s32 s4, s6;
	[dreg:$0x0] =	wrdreg $0x0  }
0xa9: {  	s6 =	sshll.u32 s28, $0x1;
	[dreg:$0x2] =	wrdreg s4  }
0xaa: {  	[dreg:$0x3] =	wrdreg s6  }
0xab: {  	[dreg:$0x4] =	wrdreg $0xC0  }
0xac: {  	_ =	task [dreg:s8], $0x5FFFF  }
0xad: {  	[dreg:$0x1] =	wrdreg $0xFFFFFFFF  }
0xae: {  	[dreg:$0x0] =	wrdreg $0x60  }
0xaf: {  	[dreg:$0x2] =	wrdreg s24  }
0xb0: {  	[dreg:$0x3] =	wrdreg s2  }
0xb1: {  	[dreg:$0x4] =	wrdreg s18  }
0xb2: {  	[dreg:$0x5] =	wrdreg $0x9  }
0xb3: {  	_ =	task.clear_ibuf [dreg:s8], $0x6FFFF;
	_ =	strace $0x90000046  }
0xb4: {  	s29 =	simm.s32 $0x9;
	_ =	strace $0x80000048  }
0xb5: {  	_ =	swait.ge [sflag:s29], $0x1  }
0xb6: {  	[sflag:s29] =	ssyncadd.s32 $0xFFFFFFFF  }
0xb7: {  	_ =	strace $0x90000048  }
0xb8: {  	_ =	sfence  }
0xb9: {  	s30 =	sld [smem:$0x0];
	_ =	sdelay $0x2  }
0xba: {  	s31 =	sshll.u32 s1, $0xD;
	s1 =	sshrl.u32 s1, $0x2  }
0xbb: {  	s3 =	sand.u32 $0x4000, s31;
	s1 =	sadd.s32 s1, s30  }
0xbc: {  	s0 =	sor.u32 s3, s0;
	s1 =	sshll.u32 s1, $0x11  }
0xbd: {  	s0 =	sor.u32 s1, s0  }
0xbe: {  	s0 =	sadd.s32 $0x8F2B, s0  }
0xbf: {  	[sflag:s0] =	ssyncadd.remote.s32 $0x1  }
0xc0: {  	_ =	sfence.sel $0xFFFF  }
0xc1: {  	[dreg:$0x0] =	wrdreg $0xFFFFFFFF;
	(pc) =	sbr.abs _section_cstart, $3  }
0xc2: {  	[dreg:$0x1] =	wrdreg $0xFFFFFFFF  }
0xc3: {  	_ =	task.clear_ibuf [dreg:s8], $0x2FFFF;
	_ =	strace $0x9FFFFFFF  }
0xc4: {  	(tm) =	ssettm $0x7FFFFFFF  }
0xc5: {  	_ =	shalt  }
tec
execute0_lowered:
.L_overlay_start_1:
0x0: {  	(tag) =	ssettag $0x1  }
0x1: {  	s0 =	rddreg [dreg:$0x0]  }
0x2: {  	s2 =	rddreg [dreg:$0x1]  }
0x3: {  	s1 =	srdreg.scid;
	s10 =	stileid.u32  }
0x4: {  	s4 =	rddreg [dreg:$0x2];
	s3 =	simm.s32 $0x0;
	s15 =	simm.s32 $0xD  }
0x5: {  	s16 =	simm.s32 $0x80;
	s17 =	simm.s32 $0x6400;
	s18 =	simm.s32 $0xA400  }
0x6: {  	s1 =	sand.u32 $0x1, s1;
	s5 =	sshll.u32 s10, $0x1;
	s22 =	smul.u32 $0xC8000, s10  }
0x7: {  	s5 =	sor.u32 s1, s5;
	s7 =	ssub.s32 $0x2, s1;
	s1 =	smul.u32 $0x64000, s1  }
0x8: {  	s29 =	simm.s32 $0x1A400;
	s30 =	simm.s32 $0x3;
	s6 =	smul.u32 $0x6400, s5  }
0x9: {  	s31 =	simm.s32 $0x7;
	[smem:$0x7FF] =	sst s3;
	s8 =	smul.u32 $0x64000, s5  }
0xa: {  	s28 =	simm.s32 $0xA;
	_ =	strace $0x80000047;
	s9 =	smul.u32 $0x320000, s5  }
0xb: {  	s19 =	sshrl.u32 s7, $0x1;
	s6 =	sshrl.u32 s6, $0x3;
	s5 =	sadd.s32 s4, s8  }
0xc: {  	s21 =	sshrl.u32 s9, $0x3;
	s0 =	sadd.s32 s6, s0;
	s6 =	ssub.s32 s7, s19  }
0xd: {  	s20 =	sadd.s32 $0x800, s5;
	s8 =	sadd.s32 $0x1000, s5;
	s19 =	simm.s32 $0x5  }
0xe: {  	s7 =	simm.s32 $0x0;
	s0 =	sadd.s32 $0x400, s0;
	[dreg:$0x5] =	wrdreg s20  }
0xf: {  	[dreg:$0x6] =	wrdreg s8;
	s13 =	smax.u32 s6, $0x1;
	s20 =	simm.s32 $0xE400  }
0x10: {  	s6 =	simm.s32 $0xC;
	[dreg:$0x4] =	wrdreg s0;
	s0 =	sadd.s32 s4, s21  }
0x11: {  	s4 =	sadd.s32 s22, s4;
	s22 =	simm.s32 $0x12400;
	s23 =	sadd.s32 $0x61800, s0  }
0x12: {  	s21 =	simm.s32 $0x9;
	s24 =	sadd.s32 $0x62000, s0;
	[dreg:$0x7] =	wrdreg s23  }
0x13: {  	s25 =	sadd.s32 $0x62800, s0;
	s26 =	sadd.s32 $0x63000, s0;
	[dreg:$0x8] =	wrdreg s24  }
0x14: {  	s1 =	sadd.s32 s1, s4;
	s12 =	sadd.s32 $0x63800, s0;
	[dreg:$0x9] =	wrdreg s25  }
0x15: {  	s0 =	simm.s32 $0x8;
	s4 =	simm.s32 $0xB;
	[dreg:$0xa] =	wrdreg s26  }
0x16: {  	s14 =	sadd.s32 $0x2000, s1;
	s23 =	simm.s32 $0x1;
	s25 =	simm.s32 $0x16400  }
0x17: {  	s26 =	simm.s32 $0x2;
	s1 =	simm.s32 $0x4;
	s24 =	simm.s32 $0x6  }
.LBB2_1:
0x18: {  	s8 =	rddreg [dreg:$0x4]  }
0x19: {  	[tilespmem:s3], [sflag:$0xD] =	stream.linear.gather [hbm4b:s8+s3], $0x6400, $0x38;
	[tilespmem:$0x1E400] =	vst v63  }
0x1a: {  	_ =	swait.ge [sflag:s15], $0x6400  }
0x1b: {  	[sflag:s15] =	ssyncset.done $0x0  }
0x1c: {  	[sflag:s15] =	ssyncadd.s32 $0xFFFF9C00  }
0x1d: {  	[tilespmem:s17], [sflag:$0x1] =	stream.indirect.gather [hbm4b:s2+s16], $0x80, s3, s16, $0xb8;
	[tilespmem:$0x1E400] =	vst v63  }
0x1e: {  	_ = 	snop  }
0x1f: {  	[tilespmem:s18], [sflag:$0x2] =	stream.indirect.gather [hbm4b:s2+s16], $0x80, s16, s16, $0xb8;
	[tilespmem:$0x1E400] =	vst v63  }
0x20: {  	s11 =	simm.s32 $0x100  }
0x21: {  	[tilespmem:s20], [sflag:$0x3] =	stream.indirect.gather [hbm4b:s2+s16], $0x80, s11, s16, $0xb8;
	[tilespmem:$0x1E400] =	vst v63  }
0x22: {  	s9 =	simm.s32 $0x180  }
0x23: {  	[tilespmem:s22], [sflag:$0x4] =	stream.indirect.gather [hbm4b:s2+s16], $0x80, s9, s16, $0xb8;
	[tilespmem:$0x1E400] =	vst v63  }
0x24: {  	_ =	swait.ge [sflag:s23], $0x4000  }
0x25: {  	[sflag:s23] =	ssyncset.done $0x0  }
0x26: {  	[sflag:s23] =	ssyncadd.s32 $0xFFFFC000  }
0x27: {  	[hbm4b:s5+s3] =	stream.linear.scatter [tilespmem:s17], [sflag:$0x7], $0x4000, $0x38;
	[tilespmem:$0x1E400] =	vst v63  }
0x28: {  	s10 =	simm.s32 $0x200  }
0x29: {  	[tilespmem:s25], [sflag:$0x5] =	stream.indirect.gather [hbm4b:s2+s16], $0x80, s10, s16, $0xb8;
	[tilespmem:$0x1E400] =	vst v63  }
0x2a: {  	_ =	swait.ge [sflag:s26], $0x4000  }
0x2b: {  	[sflag:s26] =	ssyncset.done $0x0  }
0x2c: {  	s11 =	rddreg [dreg:$0x5];
	[sflag:s26] =	ssyncadd.s32 $0xFFFFC000  }
0x2d: {  	[hbm4b:s11+s3] =	stream.linear.scatter [tilespmem:s18], [sflag:$0x8], $0x4000, $0x38;
	[tilespmem:$0x1E400] =	vst v63  }
0x2e: {  	s9 =	simm.s32 $0x280  }
0x2f: {  	[tilespmem:s29], [sflag:$0x6] =	stream.indirect.gather [hbm4b:s2+s16], $0x80, s9, s16, $0xb8;
	[tilespmem:$0x1E400] =	vst v63  }
0x30: {  	_ =	swait.ge [sflag:s30], $0x4000  }
0x31: {  	[sflag:s30] =	ssyncset.done $0x0  }
0x32: {  	s10 =	rddreg [dreg:$0x6];
	[sflag:s30] =	ssyncadd.s32 $0xFFFFC000  }
0x33: {  	[hbm4b:s10+s3] =	stream.linear.scatter [tilespmem:s20], [sflag:$0x9], $0x4000, $0x38;
	[tilespmem:$0x1E400] =	vst v63  }
0x34: {  	_ =	swait.ge [sflag:s31], $0x4000  }
0x35: {  	[sflag:s31] =	ssyncset.done $0x0  }
0x36: {  	s11 =	simm.s32 $0x300;
	[sflag:s31] =	ssyncadd.s32 $0xFFFFC000  }
0x37: {  	[tilespmem:s17], [sflag:$0x1] =	stream.indirect.gather [hbm4b:s2+s16], $0x80, s11, s16, $0xb8;
	[tilespmem:$0x1E400] =	vst v63  }
0x38: {  	_ =	swait.ge [sflag:s1], $0x4000  }
0x39: {  	[sflag:s1] =	ssyncset.done $0x0  }
0x3a: {  	s9 =	sadd.s32 $0xFFFFF800, s14;
	[sflag:s1] =	ssyncadd.s32 $0xFFFFC000  }
0x3b: {  	[hbm4b:s9+s3] =	stream.linear.scatter [tilespmem:s22], [sflag:$0xA], $0x4000, $0x38;
	[tilespmem:$0x1E400] =	vst v63  }
0x3c: {  	_ =	swait.ge [sflag:s0], $0x4000  }
0x3d: {  	[sflag:s0] =	ssyncset.done $0x0  }
0x3e: {  	s10 =	simm.s32 $0x380;
	[sflag:s0] =	ssyncadd.s32 $0xFFFFC000  }
0x3f: {  	[tilespmem:s18], [sflag:$0x2] =	stream.indirect.gather [hbm4b:s2+s16], $0x80, s10, s16, $0xb8;
	[tilespmem:$0x1E400] =	vst v63  }
0x40: {  	_ =	swait.ge [sflag:s19], $0x4000  }
0x41: {  	[sflag:s19] =	ssyncset.done $0x0  }
0x42: {  	[sflag:s19] =	ssyncadd.s32 $0xFFFFC000  }
0x43: {  	[hbm4b:s14+s3] =	stream.linear.scatter [tilespmem:s25], [sflag:$0xB], $0x4000, $0x38;
	[tilespmem:$0x1E400] =	vst v63  }
0x44: {  	_ =	swait.ge [sflag:s21], $0x4000  }
0x45: {  	[sflag:s21] =	ssyncset.done $0x0  }
0x46: {  	s11 =	simm.s32 $0x400;
	[sflag:s21] =	ssyncadd.s32 $0xFFFFC000  }
0x47: {  	[tilespmem:s20], [sflag:$0x3] =	stream.indirect.gather [hbm4b:s2+s16], $0x80, s11, s16, $0xb8;
	[tilespmem:$0x1E400] =	vst v63  }
0x48: {  	_ =	swait.ge [sflag:s24], $0x4000  }
0x49: {  	[sflag:s24] =	ssyncset.done $0x0  }
0x4a: {  	s9 =	sadd.s32 $0x800, s14;
	[sflag:s24] =	ssyncadd.s32 $0xFFFFC000  }
0x4b: {  	[hbm4b:s9+s3] =	stream.linear.scatter [tilespmem:s29], [sflag:$0xC], $0x4000, $0x38;
	[tilespmem:$0x1E400] =	vst v63  }
0x4c: {  	_ =	swait.ge [sflag:s28], $0x4000  }
0x4d: {  	[sflag:s28] =	ssyncset.done $0x0  }
0x4e: {  	s10 =	simm.s32 $0x480;
	[sflag:s28] =	ssyncadd.s32 $0xFFFFC000  }
0x4f: {  	[tilespmem:s22], [sflag:$0x4] =	stream.indirect.gather [hbm4b:s2+s16], $0x80, s10, s16, $0xb8;
	[tilespmem:$0x1E400] =	vst v63  }
0x50: {  	_ =	swait.ge [sflag:s23], $0x4000  }
0x51: {  	[sflag:s23] =	ssyncset.done $0x0  }
0x52: {  	s11 =	sadd.s32 $0x1000, s14;
	[sflag:s23] =	ssyncadd.s32 $0xFFFFC000  }
0x53: {  	[hbm4b:s11+s3] =	stream.linear.scatter [tilespmem:s17], [sflag:$0x7], $0x4000, $0x38;
	[tilespmem:$0x1E400] =	vst v63  }
0x54: {  	_ =	swait.ge [sflag:s4], $0x4000  }
0x55: {  	[sflag:s4] =	ssyncset.done $0x0  }
0x56: {  	s9 =	simm.s32 $0x500;
	[sflag:s4] =	ssyncadd.s32 $0xFFFFC000  }
0x57: {  	[tilespmem:s25], [sflag:$0x5] =	stream.indirect.gather [hbm4b:s2+s16], $0x80, s9, s16, $0xb8;
	[tilespmem:$0x1E400] =	vst v63  }
0x58: {  	_ =	swait.ge [sflag:s26], $0x4000  }
0x59: {  	[sflag:s26] =	ssyncset.done $0x0  }
0x5a: {  	s10 =	sadd.s32 $0x1800, s14;
	[sflag:s26] =	ssyncadd.s32 $0xFFFFC000  }
0x5b: {  	[hbm4b:s10+s3] =	stream.linear.scatter [tilespmem:s18], [sflag:$0x8], $0x4000, $0x38;
	[tilespmem:$0x1E400] =	vst v63  }
0x5c: {  	_ =	swait.ge [sflag:s6], $0x4000  }
0x5d: {  	[sflag:s6] =	ssyncset.done $0x0  }
0x5e: {  	s11 =	simm.s32 $0x580;
	[sflag:s6] =	ssyncadd.s32 $0xFFFFC000  }
0x5f: {  	[tilespmem:s29], [sflag:$0x6] =	stream.indirect.gather [hbm4b:s2+s16], $0x80, s11, s16, $0xb8;
	[tilespmem:$0x1E400] =	vst v63  }
0x60: {  	_ =	swait.ge [sflag:s30], $0x4000  }
0x61: {  	s8 =	simm.s32 $0xC00;
	[sflag:s30] =	ssyncset.done $0x0  }
0x62: {  	s9 =	sadd.s32 $0x3000, s14;
	s10 =	sadd.s32 $0x2000, s14;
	[sflag:s30] =	ssyncadd.s32 $0xFFFFC000  }
.LBB2_2:
0x63: {  	[hbm4b:s10+s3] =	stream.linear.scatter [tilespmem:s20], [sflag:$0x9], $0x4000, $0x38;
	[tilespmem:$0x1E400] =	vst v63  }
0x64: {  	s10 =	smov.u32 s8  }
0x65: {  	p0 =	sne.s32 s8, $0x17400;
	s8 =	sadd.s32 $0xC00, s8;
	_ =	swait.ge [sflag:s31], $0x4000  }
0x66: {  	s10 =	sshra.s32 s10, $0x2;
	[sflag:s31] =	ssyncset.done $0x0  }
0x67: {  	s11 =	sadd.s32 $0x300, s10;
	[sflag:s31] =	ssyncadd.s32 $0xFFFFC000  }
0x68: {  	[tilespmem:s17], [sflag:$0x1] =	stream.indirect.gather [hbm4b:s2+s16], $0x80, s11, s16, $0xb8;
	[tilespmem:$0x1E400] =	vst v63  }
0x69: {  	_ =	swait.ge [sflag:s1], $0x4000  }
0x6a: {  	[sflag:s1] =	ssyncset.done $0x0  }
0x6b: {  	s11 =	sadd.s32 $0xFFFFF800, s9;
	[sflag:s1] =	ssyncadd.s32 $0xFFFFC000  }
0x6c: {  	[hbm4b:s11+s3] =	stream.linear.scatter [tilespmem:s22], [sflag:$0xA], $0x4000, $0x38;
	[tilespmem:$0x1E400] =	vst v63  }
0x6d: {  	_ =	swait.ge [sflag:s0], $0x4000  }
0x6e: {  	[sflag:s0] =	ssyncset.done $0x0  }
0x6f: {  	s11 =	sadd.s32 $0x380, s10;
	[sflag:s0] =	ssyncadd.s32 $0xFFFFC000  }
0x70: {  	[tilespmem:s18], [sflag:$0x2] =	stream.indirect.gather [hbm4b:s2+s16], $0x80, s11, s16, $0xb8;
	[tilespmem:$0x1E400] =	vst v63  }
0x71: {  	_ =	swait.ge [sflag:s19], $0x4000  }
0x72: {  	[sflag:s19] =	ssyncset.done $0x0  }
0x73: {  	[sflag:s19] =	ssyncadd.s32 $0xFFFFC000  }
0x74: {  	[hbm4b:s9+s3] =	stream.linear.scatter [tilespmem:s25], [sflag:$0xB], $0x4000, $0x38;
	[tilespmem:$0x1E400] =	vst v63  }
0x75: {  	_ =	swait.ge [sflag:s21], $0x4000  }
0x76: {  	[sflag:s21] =	ssyncset.done $0x0  }
0x77: {  	s11 =	sadd.s32 $0x400, s10;
	[sflag:s21] =	ssyncadd.s32 $0xFFFFC000  }
0x78: {  	[tilespmem:s20], [sflag:$0x3] =	stream.indirect.gather [hbm4b:s2+s16], $0x80, s11, s16, $0xb8;
	[tilespmem:$0x1E400] =	vst v63  }
0x79: {  	_ =	swait.ge [sflag:s24], $0x4000  }
0x7a: {  	[sflag:s24] =	ssyncset.done $0x0  }
0x7b: {  	s11 =	sadd.s32 $0x800, s9;
	[sflag:s24] =	ssyncadd.s32 $0xFFFFC000  }
0x7c: {  	[hbm4b:s11+s3] =	stream.linear.scatter [tilespmem:s29], [sflag:$0xC], $0x4000, $0x38;
	[tilespmem:$0x1E400] =	vst v63  }
0x7d: {  	_ =	swait.ge [sflag:s28], $0x4000  }
0x7e: {  	[sflag:s28] =	ssyncset.done $0x0  }
0x7f: {  	s11 =	sadd.s32 $0x480, s10;
	[sflag:s28] =	ssyncadd.s32 $0xFFFFC000  }
0x80: {  	[tilespmem:s22], [sflag:$0x4] =	stream.indirect.gather [hbm4b:s2+s16], $0x80, s11, s16, $0xb8;
	[tilespmem:$0x1E400] =	vst v63  }
0x81: {  	_ =	swait.ge [sflag:s23], $0x4000  }
0x82: {  	[sflag:s23] =	ssyncset.done $0x0  }
0x83: {  	s11 =	sadd.s32 $0x1000, s9;
	[sflag:s23] =	ssyncadd.s32 $0xFFFFC000  }
0x84: {  	[hbm4b:s11+s3] =	stream.linear.scatter [tilespmem:s17], [sflag:$0x7], $0x4000, $0x38;
	[tilespmem:$0x1E400] =	vst v63  }
0x85: {  	_ =	swait.ge [sflag:s4], $0x4000  }
0x86: {  	[sflag:s4] =	ssyncset.done $0x0  }
0x87: {  	s11 =	sadd.s32 $0x500, s10;
	[sflag:s4] =	ssyncadd.s32 $0xFFFFC000  }
0x88: {  	[tilespmem:s25], [sflag:$0x5] =	stream.indirect.gather [hbm4b:s2+s16], $0x80, s11, s16, $0xb8;
	[tilespmem:$0x1E400] =	vst v63  }
0x89: {  	_ =	swait.ge [sflag:s26], $0x4000  }
0x8a: {  	[sflag:s26] =	ssyncset.done $0x0  }
0x8b: {  	s11 =	sadd.s32 $0x1800, s9;
	[sflag:s26] =	ssyncadd.s32 $0xFFFFC000  }
0x8c: {  	[hbm4b:s11+s3] =	stream.linear.scatter [tilespmem:s18], [sflag:$0x8], $0x4000, $0x38;
	[tilespmem:$0x1E400] =	vst v63  }
0x8d: {  	_ =	swait.ge [sflag:s6], $0x4000  }
0x8e: {  	[sflag:s6] =	ssyncset.done $0x0  }
.Ltmp0:
0x8f: {  	s10 =	sadd.s32 $0x580, s10;
	[sflag:s6] =	ssyncadd.s32 $0xFFFFC000;
	(pc) =	sbr.rel @p0 .LBB2_2-.Ltmp0, $4  }
0x90: {  	[tilespmem:s29], [sflag:$0x6] =	stream.indirect.gather [hbm4b:s2+s16], $0x80, s10, s16, $0xb8;
	[tilespmem:$0x1E400] =	vst v63  }
0x91: {  	_ =	swait.ge [sflag:s30], $0x4000  }
0x92: {  	[sflag:s30] =	ssyncset.done $0x0  }
0x93: {  	s10 =	sadd.s32 $0x2000, s9;
	s9 =	sadd.s32 $0x3000, s9;
	[sflag:s30] =	ssyncadd.s32 $0xFFFFC000  }
0x94: {  	[hbm4b:s10+s3] =	stream.linear.scatter [tilespmem:s20], [sflag:$0x9], $0x4000, $0x38;
	[tilespmem:$0x1E400] =	vst v63  }
0x95: {  	_ =	swait.ge [sflag:s31], $0x4000  }
0x96: {  	[sflag:s31] =	ssyncset.done $0x0  }
0x97: {  	s8 =	simm.s32 $0x6300;
	[sflag:s31] =	ssyncadd.s32 $0xFFFFC000  }
0x98: {  	[tilespmem:s17], [sflag:$0x1] =	stream.indirect.gather [hbm4b:s2+s16], $0x80, s8, s16, $0xb8;
	[tilespmem:$0x1E400] =	vst v63  }
0x99: {  	_ =	swait.ge [sflag:s1], $0x4000  }
0x9a: {  	[sflag:s1] =	ssyncset.done $0x0  }
0x9b: {  	s10 =	rddreg [dreg:$0x7];
	[sflag:s1] =	ssyncadd.s32 $0xFFFFC000  }
0x9c: {  	[hbm4b:s10+s3] =	stream.linear.scatter [tilespmem:s22], [sflag:$0xA], $0x4000, $0x38;
	[tilespmem:$0x1E400] =	vst v63  }
0x9d: {  	_ =	swait.ge [sflag:s0], $0x4000  }
0x9e: {  	[sflag:s0] =	ssyncset.done $0x0  }
0x9f: {  	s11 =	simm.s32 $0x6380;
	[sflag:s0] =	ssyncadd.s32 $0xFFFFC000  }
0xa0: {  	[tilespmem:s18], [sflag:$0x2] =	stream.indirect.gather [hbm4b:s2+s16], $0x80, s11, s16, $0xb8;
	[tilespmem:$0x1E400] =	vst v63  }
0xa1: {  	_ =	swait.ge [sflag:s19], $0x4000  }
0xa2: {  	[sflag:s19] =	ssyncset.done $0x0  }
0xa3: {  	s9 =	rddreg [dreg:$0x8];
	[sflag:s19] =	ssyncadd.s32 $0xFFFFC000  }
0xa4: {  	[hbm4b:s9+s3] =	stream.linear.scatter [tilespmem:s25], [sflag:$0xB], $0x4000, $0x38;
	[tilespmem:$0x1E400] =	vst v63  }
0xa5: {  	_ =	swait.ge [sflag:s21], $0x4000  }
0xa6: {  	[sflag:s21] =	ssyncset.done $0x0  }
0xa7: {  	[sflag:s21] =	ssyncadd.s32 $0xFFFFC000  }
0xa8: {  	_ =	swait.ge [sflag:s24], $0x4000  }
0xa9: {  	[sflag:s24] =	ssyncset.done $0x0  }
0xaa: {  	s10 =	rddreg [dreg:$0x9];
	[sflag:s24] =	ssyncadd.s32 $0xFFFFC000  }
0xab: {  	[hbm4b:s10+s3] =	stream.linear.scatter [tilespmem:s29], [sflag:$0xC], $0x4000, $0x38;
	[tilespmem:$0x1E400] =	vst v63  }
0xac: {  	_ =	swait.ge [sflag:s28], $0x4000  }
0xad: {  	[sflag:s28] =	ssyncset.done $0x0  }
0xae: {  	[sflag:s28] =	ssyncadd.s32 $0xFFFFC000  }
0xaf: {  	_ =	swait.ge [sflag:s23], $0x4000  }
0xb0: {  	[sflag:s23] =	ssyncset.done $0x0  }
0xb1: {  	s11 =	rddreg [dreg:$0xa];
	[sflag:s23] =	ssyncadd.s32 $0xFFFFC000  }
0xb2: {  	[hbm4b:s11+s3] =	stream.linear.scatter [tilespmem:s17], [sflag:$0x7], $0x4000, $0x38;
	[tilespmem:$0x1E400] =	vst v63  }
0xb3: {  	_ =	swait.ge [sflag:s4], $0x4000  }
0xb4: {  	[sflag:s4] =	ssyncset.done $0x0  }
0xb5: {  	[sflag:s4] =	ssyncadd.s32 $0xFFFFC000  }
0xb6: {  	_ =	swait.ge [sflag:s26], $0x4000  }
0xb7: {  	[sflag:s26] =	ssyncset.done $0x0  }
0xb8: {  	[sflag:s26] =	ssyncadd.s32 $0xFFFFC000  }
0xb9: {  	[hbm4b:s12+s3] =	stream.linear.scatter [tilespmem:s18], [sflag:$0x8], $0x4000, $0x38;
	[tilespmem:$0x1E400] =	vst v63  }
0xba: {  	_ =	swait.ge [sflag:s6], $0x4000  }
0xbb: {  	[sflag:s6] =	ssyncset.done $0x0  }
0xbc: {  	s7 =	sadd.s32 $0x1, s7;
	[sflag:s6] =	ssyncadd.s32 $0xFFFFC000  }
0xbd: {  	p0 =	sne.s32 s7, s13;
	_ =	swait.ge [sflag:s31], $0x4000  }
.Ltmp1:
0xbe: {  	[sflag:s31] =	ssyncset.done $0x0;
	(pc) =	sbr.rel @p0 .LBB2_1-.Ltmp1, $4  }
0xbf: {  	[sflag:s31] =	ssyncadd.s32 $0xFFFFC000  }
0xc0: {  	_ =	swait.ge [sflag:s0], $0x4000  }
0xc1: {  	[sflag:s0] =	ssyncset.done $0x0  }
0xc2: {  	[sflag:s0] =	ssyncadd.s32 $0xFFFFC000  }
0xc3: {  	_ =	sfence.sel $0x180000  }
0xc4: {  	[bflag:$0x0] =	sbarrier.arrive $0xFFFF  }
0xc5: {  	_ =	strace $0x90000047  }
0xc6: {  	s0 =	stileid.u32;
	[bflag:$0x2] =	sbarrier.arrive $0xFFFF  }
0xc7: {  	p0 =	sne.s32 s0, $0x0;
	s0 =	rddreg [dreg:$0x3]  }
0xc8: {  	s0 =	sadd.s32 @!p0 $0x100000, s0  }
0xc9: {  	[sflag:s0] =	ssyncadd.tile.s32 @!p0 $0x1;
	_ =	shalt  }
.Lfunc_end2:
_tile_overlayer_lowered:
.L_overlay_start_2:
0xca: {  	(tag) =	ssettag $0x2  }
0xcb: {  	s0 =	rddreg [dreg:$0x0];
	s2 =	stileid.u32  }
0xcc: {  	s1 =	rddreg [dreg:$0x1];
	p0 =	sne.s32 s2, $0x0  }
0xcd: {  	s3 =	rddreg [dreg:$0x2];
	[bflag:$0x3] =	sbarrier.arrive $0xFFFF;
	s2 =	simm.s32 @!p0 $0x1C0D  }
0xce: {  	[timem:s3], [sflag:s2] =	dma.local @!p0 [hbm:s0], s1  }
0xcf: {  	s0 =	simm.s32 @!p0 $0xD  }
0xd0: {  	_ =	swait.ge @!p0 [sflag:s0], s1  }
0xd1: {  	s1 =	ssub.s32 @!p0 $0x0, s1;
	[sflag:s0] =	ssyncset.done @!p0 $0x0  }
0xd2: {  	[sflag:s0] =	ssyncadd.s32 @!p0 s1  }
0xd3: {  	[bflag:$0x3] =	sbarrier.arrive $0xFFFF  }
0xd4: {  	_ =	shalt  }

</sc_bundles>
